<compile_context>
chip_gen: v7x
topology: tpu7x:2x2x1
jax: 0.10.2.dev20260603
libtpu: 0.0.44.dev20260713+nightly
codegen_flags: <defaults>
</compile_context>

<pallas_src>
import functools

import jax
import jax.numpy as jnp
from jax import lax
from jax.experimental import pallas as pl
from jax.experimental.pallas import tpu as pltpu
from jax.experimental.pallas import tpu_sc as plsc

S = 32
L = 1024
K = 1000
D = 64
TOPK = 64

F32 = jnp.float32
I32 = jnp.int32


def _encode_body(f_ref, cbt_ref, out_ref):
    f = f_ref[...]
    cbt = cbt_ref[...]
    prod = jnp.dot(f, cbt, preferred_element_type=F32)
    c2 = jnp.sum(cbt * cbt, axis=0, keepdims=True)
    f2 = jnp.sum(f * f, axis=1, keepdims=True)
    d2 = f2 - 2.0 * prod + c2
    codes = jnp.argmin(d2, axis=-1).astype(I32)
    out_ref[...] = codes.reshape(1, 1, 128)


def _encode(frames, cbT):
    out = pl.pallas_call(
        _encode_body,
        grid=(8,),
        in_specs=[
            pl.BlockSpec((128, D), lambda i: (i, 0)),
            pl.BlockSpec((D, K), lambda i: (0, 0)),
        ],
        out_specs=pl.BlockSpec((1, 1, 128), lambda i: (i, 0, 0)),
        out_shape=jax.ShapeDtypeStruct((8, 1, 128), I32),
    )(frames, cbT)
    return out.reshape(L)


def _kth_search(x):
    R = x.shape[0]
    bits = jax.lax.bitcast_convert_type(x, I32)
    MIN = jnp.int32(-(2**31))
    keys = jnp.where(bits >= 0, bits | MIN, ~bits)
    keysx = keys ^ MIN
    t = jnp.zeros((R, 1), I32)
    for b in range(31, -1, -1):
        bit = MIN if b == 31 else jnp.int32(1 << b)
        cand = t | bit
        candx = cand ^ MIN
        cnt = jnp.sum((keysx >= candx).astype(I32), axis=1, keepdims=True)
        t = jnp.where(cnt >= TOPK, cand, t)
    fbits = jnp.where(t < 0, t & jnp.int32(2**31 - 1), ~t)
    return jax.lax.bitcast_convert_type(fbits, F32)


def _kth_body(lg_ref, out_ref):
    out_ref[...] = jnp.broadcast_to(_kth_search(lg_ref[...]), (L, 128))


def _kth(logits):
    return pl.pallas_call(
        _kth_body,
        grid=(1,),
        in_specs=[pl.BlockSpec((L, KP), lambda i: (0, 0))],
        out_specs=pl.BlockSpec((L, 128), lambda i: (0, 0)),
        out_shape=jax.ShapeDtypeStruct((L, 128), F32),
    )(logits)


def _sample_body(u_ref, lg_ref, kth_ref, out_ref):
    u = u_ref[...]
    lg = lg_ref[...][:, :K]
    kth = kth_ref[...][:, :1]
    filt = jnp.where(lg >= kth, lg, -jnp.inf)
    g = -jnp.log(-jnp.log(u + 1e-9) + 1e-9)
    x = jnp.argmax(filt + g, axis=-1).astype(I32)
    out_ref[...] = x.reshape(1, 8, 128)


def _sample(u2d, logits, kth_b):
    x3d = pl.pallas_call(
        _sample_body,
        grid=(S,),
        in_specs=[
            pl.BlockSpec((L, K), lambda s: (s, 0)),
            pl.BlockSpec((L, KP), lambda s: (0, 0)),
            pl.BlockSpec((L, 128), lambda s: (0, 0)),
        ],
        out_specs=pl.BlockSpec((1, 8, 128), lambda s: (s, 0, 0)),
        out_shape=jax.ShapeDtypeStruct((S, 8, 128), I32),
    )(u2d, logits, kth_b)
    return x3d.reshape(S, L)


NW = 32
_SC_MESH = plsc.VectorSubcoreMesh(core_axis_name="c", subcore_axis_name="s")

KP = 1024


@functools.partial(
    pl.kernel, mesh=_SC_MESH,
    out_type=[jax.ShapeDtypeStruct((L, KP), F32),
              jax.ShapeDtypeStruct((L, KP), F32)],
    scratch_types=[pltpu.VMEM((L // NW,), I32),
                   pltpu.VMEM((L // NW, KP), F32),
                   pltpu.SemaphoreType.DMA],
)
def _gather_priors(t0_hbm, t1_hbm, codes_hbm, o0_hbm, o1_hbm, idx_v, rows_v, sem):
    bpw = L // NW
    wid = lax.axis_index("s") * 2 + lax.axis_index("c")
    base = wid * bpw
    pltpu.sync_copy(codes_hbm.at[pl.ds(base, bpw)], idx_v)
    pltpu.async_copy(t0_hbm.at[idx_v], rows_v, sem).wait()
    pltpu.sync_copy(rows_v, o0_hbm.at[pl.ds(base, bpw)])
    pltpu.async_copy(t1_hbm.at[idx_v], rows_v, sem).wait()
    pltpu.sync_copy(rows_v, o1_hbm.at[pl.ds(base, bpw)])


_G2_CHUNK = 128


DP = 128


@functools.partial(
    pl.kernel, mesh=_SC_MESH,
    out_type=jax.ShapeDtypeStruct((S * L, DP), F32),
    scratch_types=[pltpu.VMEM((S * L // NW,), I32),
                   pltpu.VMEM((_G2_CHUNK, DP), F32),
                   pltpu.VMEM((_G2_CHUNK, DP), F32),
                   pltpu.SemaphoreType.DMA,
                   pltpu.SemaphoreType.DMA],
)
def _gather_codebook(cb_hbm, x_hbm, o_hbm, idx_v, rows_a, rows_b, sem_a, sem_b):
    bpw = S * L // NW
    wid = lax.axis_index("s") * 2 + lax.axis_index("c")
    base = wid * bpw
    nchunk = bpw // _G2_CHUNK
    pltpu.sync_copy(x_hbm.at[pl.ds(base, bpw)], idx_v)
    bufs = ((rows_a, sem_a), (rows_b, sem_b))
    cps = [pltpu.async_copy(cb_hbm.at[idx_v.at[pl.ds(0, _G2_CHUNK)]],
                            rows_a, sem_a)]
    for c in range(nchunk):
        if c + 1 < nchunk:
            rows_n, sem_n = bufs[(c + 1) % 2]
            cps.append(pltpu.async_copy(
                cb_hbm.at[idx_v.at[pl.ds((c + 1) * _G2_CHUNK, _G2_CHUNK)]],
                rows_n, sem_n))
        rows_c, _ = bufs[c % 2]
        cps[c].wait()
        pltpu.sync_copy(rows_c, o_hbm.at[pl.ds(base + c * _G2_CHUNK, _G2_CHUNK)])


def _select_body(r0_ref, r1_ref, mix_ref, out_ref, err_ref):
    i = pl.program_id(0)
    s = i % S
    r0 = r0_ref[...][:, :D]
    r1 = r1_ref[...][:, :D]
    m = mix_ref[...]

    @pl.when(i < S)
    def _():
        diff = 0.5 * r0 + 0.5 * r1 - m
        err_ref[s] = jnp.sqrt(jnp.sum(diff * diff))

    @pl.when(i >= S)
    def _():
        def body(j, carry):
            bv, bi = carry
            v = err_ref[j]
            take = v < bv
            return (jnp.where(take, v, bv), jnp.where(take, j, bi))
        _, best = jax.lax.fori_loop(0, S, body, (jnp.float32(jnp.inf), jnp.int32(0)))

        @pl.when(s == best)
        def _():
            out_ref[...] = jnp.concatenate([r0[None], r1[None]], axis=0)


def _select(res0, res1, mix2d):
    return pl.pallas_call(
        _select_body,
        grid=(2 * S,),
        in_specs=[
            pl.BlockSpec((L, DP), lambda i: (i % S, 0)),
            pl.BlockSpec((L, DP), lambda i: (i % S, 0)),
            pl.BlockSpec((L, D), lambda i: (0, 0)),
        ],
        out_specs=pl.BlockSpec((2, L, D), lambda i: (0, 0, 0)),
        out_shape=jax.ShapeDtypeStruct((2, L, D), F32),
        scratch_shapes=[pltpu.SMEM((S,), F32)],
    )(res0, res1, mix2d)


def kernel(mixture, u0, u1, codebook, prior0, prior1):
    frames = mixture.reshape(L, D)
    cbT = codebook.T

    codes = _encode(frames, cbT)

    p0 = jnp.pad(prior0, ((0, 0), (0, KP - K)), constant_values=-jnp.inf)
    p1 = jnp.pad(prior1, ((0, 0), (0, KP - K)), constant_values=-jnp.inf)
    logits0, logits1 = _gather_priors(p0, p1, codes)

    kth0 = _kth(logits0)
    kth1 = _kth(logits1)

    x0 = _sample(u0.reshape(S * L, K), logits0, kth0)
    x1 = _sample(u1.reshape(S * L, K), logits1, kth1)

    cbp = jnp.pad(codebook, ((0, 0), (0, DP - D)))
    res0 = _gather_codebook(cbp, x0.reshape(-1))
    res1 = _gather_codebook(cbp, x1.reshape(-1))

    out = _select(res0, res1, frames)
    return out.reshape(2, L * D)

# --- scband reference (transcript-rebuilt; emitter-appended) ---
"""Pipeline reference for scband-topk-separator-1065151889563 (READ-ONLY COPY).

The authoritative reference and input builder live on the scoring server;
editing this copy changes nothing except your own understanding.
"""

import jax, jax.numpy as jnp
import numpy as np

NUM_SAMPLES = 32
TEMPERATURE = 1.0
TOP_K = 64
K_CODES = 1000
CODE_DIM = 64
L_FRAMES = 1024


def setup_inputs(seed: int = 0) -> dict:
    key = jax.random.key(seed)
    k1, k2, k3, k4, k5, k6 = jax.random.split(key, 6)
    mixture = jax.random.normal(k1, (L_FRAMES * CODE_DIM,), dtype=jnp.float32)
    u0 = jax.random.uniform(k2, (NUM_SAMPLES, L_FRAMES, K_CODES), dtype=jnp.float32)
    u1 = jax.random.uniform(k3, (NUM_SAMPLES, L_FRAMES, K_CODES), dtype=jnp.float32)
    codebook = jax.random.normal(k4, (K_CODES, CODE_DIM), dtype=jnp.float32)
    prior0 = jax.random.normal(k5, (K_CODES, K_CODES), dtype=jnp.float32)
    prior1 = jax.random.normal(k6, (K_CODES, K_CODES), dtype=jnp.float32)
    return {"mixture": mixture, "u0": u0, "u1": u1, "codebook": codebook,
            "prior0": prior0, "prior1": prior1}


def reference(mixture, u0, u1, codebook, prior0, prior1):
    # encode_fn: vector-quantize mixture frames against codebook (nearest neighbor)
    frames = mixture.reshape(L_FRAMES, CODE_DIM)
    d2 = ((frames * frames).sum(-1, keepdims=True)
          - 2.0 * frames @ codebook.T
          + (codebook * codebook).sum(-1)[None, :])
    codes = jnp.argmin(d2, axis=-1)  # [L] int mixture codes

    def sample_source(prior, u):
        # prior logits conditioned on mixture codes, temperature + top-k filtering
        logits = jnp.take(prior, codes, axis=0) / TEMPERATURE  # [L, K]
        kth = jax.lax.top_k(logits, TOP_K)[0][:, -1:]          # k-th largest per position
        filt = jnp.where(logits >= kth, logits, -jnp.inf)
        # Gumbel-max sampling of NUM_SAMPLES candidates per position
        g = -jnp.log(-jnp.log(u + 1e-9) + 1e-9)                # [S, L, K]
        return jnp.argmax(filt[None, :, :] + g, axis=-1)       # [S, L]

    x_0 = sample_source(prior0, u0)
    x_1 = sample_source(prior1, u1)

    # decode_fn: codebook lookup, flatten to waveform domain
    res_0 = jnp.take(codebook, x_0, axis=0).reshape(NUM_SAMPLES, -1)
    res_1 = jnp.take(codebook, x_1, axis=0).reshape(NUM_SAMPLES, -1)

    # pick candidate whose mixture reconstruction best matches the input
    err = jnp.linalg.norm(0.5 * res_0 + 0.5 * res_1 - mixture[None, :], ord=2, axis=-1)
    best_idx = jnp.argmin(err)

    s0 = jnp.take(codebook, x_0[best_idx], axis=0).reshape(-1)
    s1 = jnp.take(codebook, x_1[best_idx], axis=0).reshape(-1)
    return jnp.stack([s0, s1], axis=0)  # [2, L*D] separated sources

if __name__ == "__main__":
    import jax
    _d = setup_inputs()
    print(jax.jit(kernel)(*tuple(_d.values())))

</pallas_src>

<mosaic_0001>
#map = affine_map<(d0, d1) -> (0, 0)>
#map1 = affine_map<(d0, d1) -> (0)>
module attributes {stable_mosaic.version = 14 : i64} {
  func.func @_gather_priors(%arg0: i32, %arg1: i32, %arg2: memref<1000x1024xf32, #tpu.memory_space<hbm>>, %arg3: memref<1000x1024xf32, #tpu.memory_space<hbm>>, %arg4: memref<1024xi32, #tpu.memory_space<hbm>>, %arg5: memref<1024x1024xf32, #tpu.memory_space<hbm>>, %arg6: memref<1024x1024xf32, #tpu.memory_space<hbm>>, %arg7: memref<32xi32, #tpu.memory_space<vmem>>, %arg8: memref<32x1024xf32, #tpu.memory_space<vmem>>, %arg9: memref<!tpu.dma_semaphore, #tpu.memory_space<semaphore_mem>>) attributes {dimension_semantics = [#tpu.dimension_semantics<core_parallel>, #tpu.dimension_semantics<subcore_parallel>], iteration_bounds = array<i64: 2, 16>, scalar_prefetch = 0 : i64, scratch_operands = 3 : i64, tpu.core_type = #tpu.core_type<sc_vector_subcore>, window_params = [{transform_indices = #map}, {transform_indices = #map}, {transform_indices = #map1}, {transform_indices = #map}, {transform_indices = #map}]} {
    %mul3A = arith.constant 2 : i32
    %mul3A_0 = arith.muli %arg1, %mul3A : i32
    %add3A = arith.addi %mul3A_0, %arg0 : i32
    %mul3A_1 = arith.constant 32 : i32
    %mul3A_2 = arith.muli %add3A, %mul3A_1 : i32
    "tpu.region"() ({
      %run_scoped3A = tpu.sem_alloc : memref<!tpu.dma_semaphore, #tpu.memory_space<semaphore_mem>>
      %dma_start3A_13 = tpu.memref_slice %arg4[%mul3A_2] : memref<1024xi32, #tpu.memory_space<hbm>> -> memref<32xi32, #tpu.memory_space<hbm>>
      %dma_start3A_14 = tpu.memref_slice %arg4[%mul3A_2] : memref<1024xi32, #tpu.memory_space<hbm>> -> memref<32xi32, #tpu.memory_space<hbm>>
      tpu.enqueue_dma source(%dma_start3A_14 : memref<32xi32, #tpu.memory_space<hbm>>) target(%arg7 : memref<32xi32, #tpu.memory_space<vmem>>) target_semaphore(%run_scoped3A : memref<!tpu.dma_semaphore, #tpu.memory_space<semaphore_mem>>)
      %dma_wait3A_15 = tpu.memref_slice %arg4[%mul3A_2] : memref<1024xi32, #tpu.memory_space<hbm>> -> memref<32xi32, #tpu.memory_space<hbm>>
      %dma_wait3A_16 = tpu.memref_slice %arg4[%mul3A_2] : memref<1024xi32, #tpu.memory_space<hbm>> -> memref<32xi32, #tpu.memory_space<hbm>>
      tpu.wait_dma2 semaphore(%run_scoped3A : memref<!tpu.dma_semaphore, #tpu.memory_space<semaphore_mem>>) src(%dma_wait3A_16 : memref<32xi32, #tpu.memory_space<hbm>>) dst(%arg7 : memref<32xi32, #tpu.memory_space<vmem>>)
      tpu.yield
    }) : () -> ()
    %dma_start3A = arith.constant 0 : i32
    %dma_start3A_3 = arith.constant 0 : i32
    %dma_start3A_4 = tpu.memref_slice %arg2[%dma_start3A, %dma_start3A_3] : memref<1000x1024xf32, #tpu.memory_space<hbm>> -> memref<1000x1024xf32, #tpu.memory_space<hbm>>
    tpu.enqueue_indirect_dma source(%dma_start3A_4 : memref<1000x1024xf32, #tpu.memory_space<hbm>>) target(%arg8 : memref<32x1024xf32, #tpu.memory_space<vmem>>) offsets(%arg7 : memref<32xi32, #tpu.memory_space<vmem>>) semaphore(%arg9 : memref<!tpu.dma_semaphore, #tpu.memory_space<semaphore_mem>>)
    %dma_wait3A = arith.constant 0 : i32
    %dma_wait3A_5 = arith.constant 0 : i32
    %dma_wait3A_6 = tpu.memref_slice %arg2[%dma_wait3A, %dma_wait3A_5] : memref<1000x1024xf32, #tpu.memory_space<hbm>> -> memref<1000x1024xf32, #tpu.memory_space<hbm>>
    tpu.wait_indirect_dma semaphore(%arg9 : memref<!tpu.dma_semaphore, #tpu.memory_space<semaphore_mem>>) src(%dma_wait3A_6 : memref<1000x1024xf32, #tpu.memory_space<hbm>>) dst(%arg8 : memref<32x1024xf32, #tpu.memory_space<vmem>>)
    "tpu.region"() ({
      %run_scoped3A = tpu.sem_alloc : memref<!tpu.dma_semaphore, #tpu.memory_space<semaphore_mem>>
      %dma_start3A_13 = arith.constant 0 : i32
      %dma_start3A_14 = tpu.memref_slice %arg5[%mul3A_2, %dma_start3A_13] : memref<1024x1024xf32, #tpu.memory_space<hbm>> -> memref<32x1024xf32, #tpu.memory_space<hbm>>
      %dma_start3A_15 = arith.constant 0 : i32
      %dma_start3A_16 = tpu.memref_slice %arg5[%mul3A_2, %dma_start3A_15] : memref<1024x1024xf32, #tpu.memory_space<hbm>> -> memref<32x1024xf32, #tpu.memory_space<hbm>>
      tpu.enqueue_dma source(%arg8 : memref<32x1024xf32, #tpu.memory_space<vmem>>) target(%dma_start3A_16 : memref<32x1024xf32, #tpu.memory_space<hbm>>) target_semaphore(%run_scoped3A : memref<!tpu.dma_semaphore, #tpu.memory_space<semaphore_mem>>)
      %dma_wait3A_17 = arith.constant 0 : i32
      %dma_wait3A_18 = tpu.memref_slice %arg5[%mul3A_2, %dma_wait3A_17] : memref<1024x1024xf32, #tpu.memory_space<hbm>> -> memref<32x1024xf32, #tpu.memory_space<hbm>>
      %dma_wait3A_19 = arith.constant 0 : i32
      %dma_wait3A_20 = tpu.memref_slice %arg5[%mul3A_2, %dma_wait3A_19] : memref<1024x1024xf32, #tpu.memory_space<hbm>> -> memref<32x1024xf32, #tpu.memory_space<hbm>>
      tpu.wait_dma2 semaphore(%run_scoped3A : memref<!tpu.dma_semaphore, #tpu.memory_space<semaphore_mem>>) src(%arg8 : memref<32x1024xf32, #tpu.memory_space<vmem>>) dst(%dma_wait3A_20 : memref<32x1024xf32, #tpu.memory_space<hbm>>)
      tpu.yield
    }) : () -> ()
    %dma_start3A_7 = arith.constant 0 : i32
    %dma_start3A_8 = arith.constant 0 : i32
    %dma_start3A_9 = tpu.memref_slice %arg3[%dma_start3A_7, %dma_start3A_8] : memref<1000x1024xf32, #tpu.memory_space<hbm>> -> memref<1000x1024xf32, #tpu.memory_space<hbm>>
    tpu.enqueue_indirect_dma source(%dma_start3A_9 : memref<1000x1024xf32, #tpu.memory_space<hbm>>) target(%arg8 : memref<32x1024xf32, #tpu.memory_space<vmem>>) offsets(%arg7 : memref<32xi32, #tpu.memory_space<vmem>>) semaphore(%arg9 : memref<!tpu.dma_semaphore, #tpu.memory_space<semaphore_mem>>)
    %dma_wait3A_10 = arith.constant 0 : i32
    %dma_wait3A_11 = arith.constant 0 : i32
    %dma_wait3A_12 = tpu.memref_slice %arg3[%dma_wait3A_10, %dma_wait3A_11] : memref<1000x1024xf32, #tpu.memory_space<hbm>> -> memref<1000x1024xf32, #tpu.memory_space<hbm>>
    tpu.wait_indirect_dma semaphore(%arg9 : memref<!tpu.dma_semaphore, #tpu.memory_space<semaphore_mem>>) src(%dma_wait3A_12 : memref<1000x1024xf32, #tpu.memory_space<hbm>>) dst(%arg8 : memref<32x1024xf32, #tpu.memory_space<vmem>>)
    "tpu.region"() ({
      %run_scoped3A = tpu.sem_alloc : memref<!tpu.dma_semaphore, #tpu.memory_space<semaphore_mem>>
      %dma_start3A_13 = arith.constant 0 : i32
      %dma_start3A_14 = tpu.memref_slice %arg6[%mul3A_2, %dma_start3A_13] : memref<1024x1024xf32, #tpu.memory_space<hbm>> -> memref<32x1024xf32, #tpu.memory_space<hbm>>
      %dma_start3A_15 = arith.constant 0 : i32
      %dma_start3A_16 = tpu.memref_slice %arg6[%mul3A_2, %dma_start3A_15] : memref<1024x1024xf32, #tpu.memory_space<hbm>> -> memref<32x1024xf32, #tpu.memory_space<hbm>>
      tpu.enqueue_dma source(%arg8 : memref<32x1024xf32, #tpu.memory_space<vmem>>) target(%dma_start3A_16 : memref<32x1024xf32, #tpu.memory_space<hbm>>) target_semaphore(%run_scoped3A : memref<!tpu.dma_semaphore, #tpu.memory_space<semaphore_mem>>)
      %dma_wait3A_17 = arith.constant 0 : i32
      %dma_wait3A_18 = tpu.memref_slice %arg6[%mul3A_2, %dma_wait3A_17] : memref<1024x1024xf32, #tpu.memory_space<hbm>> -> memref<32x1024xf32, #tpu.memory_space<hbm>>
      %dma_wait3A_19 = arith.constant 0 : i32
      %dma_wait3A_20 = tpu.memref_slice %arg6[%mul3A_2, %dma_wait3A_19] : memref<1024x1024xf32, #tpu.memory_space<hbm>> -> memref<32x1024xf32, #tpu.memory_space<hbm>>
      tpu.wait_dma2 semaphore(%run_scoped3A : memref<!tpu.dma_semaphore, #tpu.memory_space<semaphore_mem>>) src(%arg8 : memref<32x1024xf32, #tpu.memory_space<vmem>>) dst(%dma_wait3A_20 : memref<32x1024xf32, #tpu.memory_space<hbm>>)
      tpu.yield
    }) : () -> ()
    return
  }
}

#map = affine_map<(d0, d1) -> (0, 0)>
#map1 = affine_map<(d0, d1) -> (0)>
module attributes {stable_mosaic.version = 14 : i64} {
  func.func @_gather_codebook(%arg0: i32, %arg1: i32, %arg2: memref<1000x128xf32, #tpu.memory_space<hbm>>, %arg3: memref<32768xi32, #tpu.memory_space<hbm>>, %arg4: memref<32768x128xf32, #tpu.memory_space<hbm>>, %arg5: memref<1024xi32, #tpu.memory_space<vmem>>, %arg6: memref<128x128xf32, #tpu.memory_space<vmem>>, %arg7: memref<128x128xf32, #tpu.memory_space<vmem>>, %arg8: memref<!tpu.dma_semaphore, #tpu.memory_space<semaphore_mem>>, %arg9: memref<!tpu.dma_semaphore, #tpu.memory_space<semaphore_mem>>) attributes {dimension_semantics = [#tpu.dimension_semantics<core_parallel>, #tpu.dimension_semantics<subcore_parallel>], iteration_bounds = array<i64: 2, 16>, scalar_prefetch = 0 : i64, scratch_operands = 5 : i64, tpu.core_type = #tpu.core_type<sc_vector_subcore>, window_params = [{transform_indices = #map}, {transform_indices = #map1}, {transform_indices = #map}]} {
    %mul3A = arith.constant 2 : i32
    %mul3A_0 = arith.muli %arg1, %mul3A : i32
    %add3A = arith.addi %mul3A_0, %arg0 : i32
    %mul3A_1 = arith.constant 1024 : i32
    %mul3A_2 = arith.muli %add3A, %mul3A_1 : i32
    "tpu.region"() ({
      %run_scoped3A = tpu.sem_alloc : memref<!tpu.dma_semaphore, #tpu.memory_space<semaphore_mem>>
      %dma_start3A_97 = tpu.memref_slice %arg3[%mul3A_2] : memref<32768xi32, #tpu.memory_space<hbm>> -> memref<1024xi32, #tpu.memory_space<hbm>>
      %dma_start3A_98 = tpu.memref_slice %arg3[%mul3A_2] : memref<32768xi32, #tpu.memory_space<hbm>> -> memref<1024xi32, #tpu.memory_space<hbm>>
      tpu.enqueue_dma source(%dma_start3A_98 : memref<1024xi32, #tpu.memory_space<hbm>>) target(%arg5 : memref<1024xi32, #tpu.memory_space<vmem>>) target_semaphore(%run_scoped3A : memref<!tpu.dma_semaphore, #tpu.memory_space<semaphore_mem>>)
      %dma_wait3A_99 = tpu.memref_slice %arg3[%mul3A_2] : memref<32768xi32, #tpu.memory_space<hbm>> -> memref<1024xi32, #tpu.memory_space<hbm>>
      %dma_wait3A_100 = tpu.memref_slice %arg3[%mul3A_2] : memref<32768xi32, #tpu.memory_space<hbm>> -> memref<1024xi32, #tpu.memory_space<hbm>>
      tpu.wait_dma2 semaphore(%run_scoped3A : memref<!tpu.dma_semaphore, #tpu.memory_space<semaphore_mem>>) src(%dma_wait3A_100 : memref<1024xi32, #tpu.memory_space<hbm>>) dst(%arg5 : memref<1024xi32, #tpu.memory_space<vmem>>)
      tpu.yield
    }) : () -> ()
    %dma_start3A = arith.constant 0 : i32
    %dma_start3A_3 = tpu.memref_slice %arg5[%dma_start3A] : memref<1024xi32, #tpu.memory_space<vmem>> -> memref<128xi32, #tpu.memory_space<vmem>>
    %dma_start3A_4 = arith.constant 0 : i32
    %dma_start3A_5 = arith.constant 0 : i32
    %dma_start3A_6 = tpu.memref_slice %arg2[%dma_start3A_4, %dma_start3A_5] : memref<1000x128xf32, #tpu.memory_space<hbm>> -> memref<1000x128xf32, #tpu.memory_space<hbm>>
    tpu.enqueue_indirect_dma source(%dma_start3A_6 : memref<1000x128xf32, #tpu.memory_space<hbm>>) target(%arg6 : memref<128x128xf32, #tpu.memory_space<vmem>>) offsets(%dma_start3A_3 : memref<128xi32, #tpu.memory_space<vmem>>) semaphore(%arg8 : memref<!tpu.dma_semaphore, #tpu.memory_space<semaphore_mem>>)
    %dma_start3A_7 = arith.constant 128 : i32
    %dma_start3A_8 = tpu.memref_slice %arg5[%dma_start3A_7] : memref<1024xi32, #tpu.memory_space<vmem>> -> memref<128xi32, #tpu.memory_space<vmem>>
    %dma_start3A_9 = arith.constant 0 : i32
    %dma_start3A_10 = arith.constant 0 : i32
    %dma_start3A_11 = tpu.memref_slice %arg2[%dma_start3A_9, %dma_start3A_10] : memref<1000x128xf32, #tpu.memory_space<hbm>> -> memref<1000x128xf32, #tpu.memory_space<hbm>>
    tpu.enqueue_indirect_dma source(%dma_start3A_11 : memref<1000x128xf32, #tpu.memory_space<hbm>>) target(%arg7 : memref<128x128xf32, #tpu.memory_space<vmem>>) offsets(%dma_start3A_8 : memref<128xi32, #tpu.memory_space<vmem>>) semaphore(%arg9 : memref<!tpu.dma_semaphore, #tpu.memory_space<semaphore_mem>>)
    %dma_wait3A = arith.constant 0 : i32
    %dma_wait3A_12 = tpu.memref_slice %arg5[%dma_wait3A] : memref<1024xi32, #tpu.memory_space<vmem>> -> memref<128xi32, #tpu.memory_space<vmem>>
    %dma_wait3A_13 = arith.constant 0 : i32
    %dma_wait3A_14 = arith.constant 0 : i32
    %dma_wait3A_15 = tpu.memref_slice %arg2[%dma_wait3A_13, %dma_wait3A_14] : memref<1000x128xf32, #tpu.memory_space<hbm>> -> memref<1000x128xf32, #tpu.memory_space<hbm>>
    tpu.wait_indirect_dma semaphore(%arg8 : memref<!tpu.dma_semaphore, #tpu.memory_space<semaphore_mem>>) src(%dma_wait3A_15 : memref<1000x128xf32, #tpu.memory_space<hbm>>) dst(%arg6 : memref<128x128xf32, #tpu.memory_space<vmem>>)
    %add3A_16 = arith.constant 0 : i32
    %add3A_17 = arith.addi %mul3A_2, %add3A_16 : i32
    "tpu.region"() ({
      %run_scoped3A = tpu.sem_alloc : memref<!tpu.dma_semaphore, #tpu.memory_space<semaphore_mem>>
      %dma_start3A_97 = arith.constant 0 : i32
      %dma_start3A_98 = tpu.memref_slice %arg4[%add3A_17, %dma_start3A_97] : memref<32768x128xf32, #tpu.memory_space<hbm>> -> memref<128x128xf32, #tpu.memory_space<hbm>>
      %dma_start3A_99 = arith.constant 0 : i32
      %dma_start3A_100 = tpu.memref_slice %arg4[%add3A_17, %dma_start3A_99] : memref<32768x128xf32, #tpu.memory_space<hbm>> -> memref<128x128xf32, #tpu.memory_space<hbm>>
      tpu.enqueue_dma source(%arg6 : memref<128x128xf32, #tpu.memory_space<vmem>>) target(%dma_start3A_100 : memref<128x128xf32, #tpu.memory_space<hbm>>) target_semaphore(%run_scoped3A : memref<!tpu.dma_semaphore, #tpu.memory_space<semaphore_mem>>)
      %dma_wait3A_101 = arith.constant 0 : i32
      %dma_wait3A_102 = tpu.memref_slice %arg4[%add3A_17, %dma_wait3A_101] : memref<32768x128xf32, #tpu.memory_space<hbm>> -> memref<128x128xf32, #tpu.memory_space<hbm>>
      %dma_wait3A_103 = arith.constant 0 : i32
      %dma_wait3A_104 = tpu.memref_slice %arg4[%add3A_17, %dma_wait3A_103] : memref<32768x128xf32, #tpu.memory_space<hbm>> -> memref<128x128xf32, #tpu.memory_space<hbm>>
      tpu.wait_dma2 semaphore(%run_scoped3A : memref<!tpu.dma_semaphore, #tpu.memory_space<semaphore_mem>>) src(%arg6 : memref<128x128xf32, #tpu.memory_space<vmem>>) dst(%dma_wait3A_104 : memref<128x128xf32, #tpu.memory_space<hbm>>)
      tpu.yield
    }) : () -> ()
    %dma_start3A_18 = arith.constant 256 : i32
    %dma_start3A_19 = tpu.memref_slice %arg5[%dma_start3A_18] : memref<1024xi32, #tpu.memory_space<vmem>> -> memref<128xi32, #tpu.memory_space<vmem>>
    %dma_start3A_20 = arith.constant 0 : i32
    %dma_start3A_21 = arith.constant 0 : i32
    %dma_start3A_22 = tpu.memref_slice %arg2[%dma_start3A_20, %dma_start3A_21] : memref<1000x128xf32, #tpu.memory_space<hbm>> -> memref<1000x128xf32, #tpu.memory_space<hbm>>
    tpu.enqueue_indirect_dma source(%dma_start3A_22 : memref<1000x128xf32, #tpu.memory_space<hbm>>) target(%arg6 : memref<128x128xf32, #tpu.memory_space<vmem>>) offsets(%dma_start3A_19 : memref<128xi32, #tpu.memory_space<vmem>>) semaphore(%arg8 : memref<!tpu.dma_semaphore, #tpu.memory_space<semaphore_mem>>)
    %dma_wait3A_23 = arith.constant 128 : i32
    %dma_wait3A_24 = tpu.memref_slice %arg5[%dma_wait3A_23] : memref<1024xi32, #tpu.memory_space<vmem>> -> memref<128xi32, #tpu.memory_space<vmem>>
    %dma_wait3A_25 = arith.constant 0 : i32
    %dma_wait3A_26 = arith.constant 0 : i32
    %dma_wait3A_27 = tpu.memref_slice %arg2[%dma_wait3A_25, %dma_wait3A_26] : memref<1000x128xf32, #tpu.memory_space<hbm>> -> memref<1000x128xf32, #tpu.memory_space<hbm>>
    tpu.wait_indirect_dma semaphore(%arg9 : memref<!tpu.dma_semaphore, #tpu.memory_space<semaphore_mem>>) src(%dma_wait3A_27 : memref<1000x128xf32, #tpu.memory_space<hbm>>) dst(%arg7 : memref<128x128xf32, #tpu.memory_space<vmem>>)
    %add3A_28 = arith.constant 128 : i32
    %add3A_29 = arith.addi %mul3A_2, %add3A_28 : i32
    "tpu.region"() ({
      %run_scoped3A = tpu.sem_alloc : memref<!tpu.dma_semaphore, #tpu.memory_space<semaphore_mem>>
      %dma_start3A_97 = arith.constant 0 : i32
      %dma_start3A_98 = tpu.memref_slice %arg4[%add3A_29, %dma_start3A_97] : memref<32768x128xf32, #tpu.memory_space<hbm>> -> memref<128x128xf32, #tpu.memory_space<hbm>>
      %dma_start3A_99 = arith.constant 0 : i32
      %dma_start3A_100 = tpu.memref_slice %arg4[%add3A_29, %dma_start3A_99] : memref<32768x128xf32, #tpu.memory_space<hbm>> -> memref<128x128xf32, #tpu.memory_space<hbm>>
      tpu.enqueue_dma source(%arg7 : memref<128x128xf32, #tpu.memory_space<vmem>>) target(%dma_start3A_100 : memref<128x128xf32, #tpu.memory_space<hbm>>) target_semaphore(%run_scoped3A : memref<!tpu.dma_semaphore, #tpu.memory_space<semaphore_mem>>)
      %dma_wait3A_101 = arith.constant 0 : i32
      %dma_wait3A_102 = tpu.memref_slice %arg4[%add3A_29, %dma_wait3A_101] : memref<32768x128xf32, #tpu.memory_space<hbm>> -> memref<128x128xf32, #tpu.memory_space<hbm>>
      %dma_wait3A_103 = arith.constant 0 : i32
      %dma_wait3A_104 = tpu.memref_slice %arg4[%add3A_29, %dma_wait3A_103] : memref<32768x128xf32, #tpu.memory_space<hbm>> -> memref<128x128xf32, #tpu.memory_space<hbm>>
      tpu.wait_dma2 semaphore(%run_scoped3A : memref<!tpu.dma_semaphore, #tpu.memory_space<semaphore_mem>>) src(%arg7 : memref<128x128xf32, #tpu.memory_space<vmem>>) dst(%dma_wait3A_104 : memref<128x128xf32, #tpu.memory_space<hbm>>)
      tpu.yield
    }) : () -> ()
    %dma_start3A_30 = arith.constant 384 : i32
    %dma_start3A_31 = tpu.memref_slice %arg5[%dma_start3A_30] : memref<1024xi32, #tpu.memory_space<vmem>> -> memref<128xi32, #tpu.memory_space<vmem>>
    %dma_start3A_32 = arith.constant 0 : i32
    %dma_start3A_33 = arith.constant 0 : i32
    %dma_start3A_34 = tpu.memref_slice %arg2[%dma_start3A_32, %dma_start3A_33] : memref<1000x128xf32, #tpu.memory_space<hbm>> -> memref<1000x128xf32, #tpu.memory_space<hbm>>
    tpu.enqueue_indirect_dma source(%dma_start3A_34 : memref<1000x128xf32, #tpu.memory_space<hbm>>) target(%arg7 : memref<128x128xf32, #tpu.memory_space<vmem>>) offsets(%dma_start3A_31 : memref<128xi32, #tpu.memory_space<vmem>>) semaphore(%arg9 : memref<!tpu.dma_semaphore, #tpu.memory_space<semaphore_mem>>)
    %dma_wait3A_35 = arith.constant 256 : i32
    %dma_wait3A_36 = tpu.memref_slice %arg5[%dma_wait3A_35] : memref<1024xi32, #tpu.memory_space<vmem>> -> memref<128xi32, #tpu.memory_space<vmem>>
    %dma_wait3A_37 = arith.constant 0 : i32
    %dma_wait3A_38 = arith.constant 0 : i32
    %dma_wait3A_39 = tpu.memref_slice %arg2[%dma_wait3A_37, %dma_wait3A_38] : memref<1000x128xf32, #tpu.memory_space<hbm>> -> memref<1000x128xf32, #tpu.memory_space<hbm>>
    tpu.wait_indirect_dma semaphore(%arg8 : memref<!tpu.dma_semaphore, #tpu.memory_space<semaphore_mem>>) src(%dma_wait3A_39 : memref<1000x128xf32, #tpu.memory_space<hbm>>) dst(%arg6 : memref<128x128xf32, #tpu.memory_space<vmem>>)
    %add3A_40 = arith.constant 256 : i32
    %add3A_41 = arith.addi %mul3A_2, %add3A_40 : i32
    "tpu.region"() ({
      %run_scoped3A = tpu.sem_alloc : memref<!tpu.dma_semaphore, #tpu.memory_space<semaphore_mem>>
      %dma_start3A_97 = arith.constant 0 : i32
      %dma_start3A_98 = tpu.memref_slice %arg4[%add3A_41, %dma_start3A_97] : memref<32768x128xf32, #tpu.memory_space<hbm>> -> memref<128x128xf32, #tpu.memory_space<hbm>>
      %dma_start3A_99 = arith.constant 0 : i32
      %dma_start3A_100 = tpu.memref_slice %arg4[%add3A_41, %dma_start3A_99] : memref<32768x128xf32, #tpu.memory_space<hbm>> -> memref<128x128xf32, #tpu.memory_space<hbm>>
      tpu.enqueue_dma source(%arg6 : memref<128x128xf32, #tpu.memory_space<vmem>>) target(%dma_start3A_100 : memref<128x128xf32, #tpu.memory_space<hbm>>) target_semaphore(%run_scoped3A : memref<!tpu.dma_semaphore, #tpu.memory_space<semaphore_mem>>)
      %dma_wait3A_101 = arith.constant 0 : i32
      %dma_wait3A_102 = tpu.memref_slice %arg4[%add3A_41, %dma_wait3A_101] : memref<32768x128xf32, #tpu.memory_space<hbm>> -> memref<128x128xf32, #tpu.memory_space<hbm>>
      %dma_wait3A_103 = arith.constant 0 : i32
      %dma_wait3A_104 = tpu.memref_slice %arg4[%add3A_41, %dma_wait3A_103] : memref<32768x128xf32, #tpu.memory_space<hbm>> -> memref<128x128xf32, #tpu.memory_space<hbm>>
      tpu.wait_dma2 semaphore(%run_scoped3A : memref<!tpu.dma_semaphore, #tpu.memory_space<semaphore_mem>>) src(%arg6 : memref<128x128xf32, #tpu.memory_space<vmem>>) dst(%dma_wait3A_104 : memref<128x128xf32, #tpu.memory_space<hbm>>)
      tpu.yield
    }) : () -> ()
    %dma_start3A_42 = arith.constant 512 : i32
    %dma_start3A_43 = tpu.memref_slice %arg5[%dma_start3A_42] : memref<1024xi32, #tpu.memory_space<vmem>> -> memref<128xi32, #tpu.memory_space<vmem>>
    %dma_start3A_44 = arith.constant 0 : i32
    %dma_start3A_45 = arith.constant 0 : i32
    %dma_start3A_46 = tpu.memref_slice %arg2[%dma_start3A_44, %dma_start3A_45] : memref<1000x128xf32, #tpu.memory_space<hbm>> -> memref<1000x128xf32, #tpu.memory_space<hbm>>
    tpu.enqueue_indirect_dma source(%dma_start3A_46 : memref<1000x128xf32, #tpu.memory_space<hbm>>) target(%arg6 : memref<128x128xf32, #tpu.memory_space<vmem>>) offsets(%dma_start3A_43 : memref<128xi32, #tpu.memory_space<vmem>>) semaphore(%arg8 : memref<!tpu.dma_semaphore, #tpu.memory_space<semaphore_mem>>)
    %dma_wait3A_47 = arith.constant 384 : i32
    %dma_wait3A_48 = tpu.memref_slice %arg5[%dma_wait3A_47] : memref<1024xi32, #tpu.memory_space<vmem>> -> memref<128xi32, #tpu.memory_space<vmem>>
    %dma_wait3A_49 = arith.constant 0 : i32
    %dma_wait3A_50 = arith.constant 0 : i32
    %dma_wait3A_51 = tpu.memref_slice %arg2[%dma_wait3A_49, %dma_wait3A_50] : memref<1000x128xf32, #tpu.memory_space<hbm>> -> memref<1000x128xf32, #tpu.memory_space<hbm>>
    tpu.wait_indirect_dma semaphore(%arg9 : memref<!tpu.dma_semaphore, #tpu.memory_space<semaphore_mem>>) src(%dma_wait3A_51 : memref<1000x128xf32, #tpu.memory_space<hbm>>) dst(%arg7 : memref<128x128xf32, #tpu.memory_space<vmem>>)
    %add3A_52 = arith.constant 384 : i32
    %add3A_53 = arith.addi %mul3A_2, %add3A_52 : i32
    "tpu.region"() ({
      %run_scoped3A = tpu.sem_alloc : memref<!tpu.dma_semaphore, #tpu.memory_space<semaphore_mem>>
      %dma_start3A_97 = arith.constant 0 : i32
      %dma_start3A_98 = tpu.memref_slice %arg4[%add3A_53, %dma_start3A_97] : memref<32768x128xf32, #tpu.memory_space<hbm>> -> memref<128x128xf32, #tpu.memory_space<hbm>>
      %dma_start3A_99 = arith.constant 0 : i32
      %dma_start3A_100 = tpu.memref_slice %arg4[%add3A_53, %dma_start3A_99] : memref<32768x128xf32, #tpu.memory_space<hbm>> -> memref<128x128xf32, #tpu.memory_space<hbm>>
      tpu.enqueue_dma source(%arg7 : memref<128x128xf32, #tpu.memory_space<vmem>>) target(%dma_start3A_100 : memref<128x128xf32, #tpu.memory_space<hbm>>) target_semaphore(%run_scoped3A : memref<!tpu.dma_semaphore, #tpu.memory_space<semaphore_mem>>)
      %dma_wait3A_101 = arith.constant 0 : i32
      %dma_wait3A_102 = tpu.memref_slice %arg4[%add3A_53, %dma_wait3A_101] : memref<32768x128xf32, #tpu.memory_space<hbm>> -> memref<128x128xf32, #tpu.memory_space<hbm>>
      %dma_wait3A_103 = arith.constant 0 : i32
      %dma_wait3A_104 = tpu.memref_slice %arg4[%add3A_53, %dma_wait3A_103] : memref<32768x128xf32, #tpu.memory_space<hbm>> -> memref<128x128xf32, #tpu.memory_space<hbm>>
      tpu.wait_dma2 semaphore(%run_scoped3A : memref<!tpu.dma_semaphore, #tpu.memory_space<semaphore_mem>>) src(%arg7 : memref<128x128xf32, #tpu.memory_space<vmem>>) dst(%dma_wait3A_104 : memref<128x128xf32, #tpu.memory_space<hbm>>)
      tpu.yield
    }) : () -> ()
    %dma_start3A_54 = arith.constant 640 : i32
    %dma_start3A_55 = tpu.memref_slice %arg5[%dma_start3A_54] : memref<1024xi32, #tpu.memory_space<vmem>> -> memref<128xi32, #tpu.memory_space<vmem>>
    %dma_start3A_56 = arith.constant 0 : i32
    %dma_start3A_57 = arith.constant 0 : i32
    %dma_start3A_58 = tpu.memref_slice %arg2[%dma_start3A_56, %dma_start3A_57] : memref<1000x128xf32, #tpu.memory_space<hbm>> -> memref<1000x128xf32, #tpu.memory_space<hbm>>
    tpu.enqueue_indirect_dma source(%dma_start3A_58 : memref<1000x128xf32, #tpu.memory_space<hbm>>) target(%arg7 : memref<128x128xf32, #tpu.memory_space<vmem>>) offsets(%dma_start3A_55 : memref<128xi32, #tpu.memory_space<vmem>>) semaphore(%arg9 : memref<!tpu.dma_semaphore, #tpu.memory_space<semaphore_mem>>)
    %dma_wait3A_59 = arith.constant 512 : i32
    %dma_wait3A_60 = tpu.memref_slice %arg5[%dma_wait3A_59] : memref<1024xi32, #tpu.memory_space<vmem>> -> memref<128xi32, #tpu.memory_space<vmem>>
    %dma_wait3A_61 = arith.constant 0 : i32
    %dma_wait3A_62 = arith.constant 0 : i32
    %dma_wait3A_63 = tpu.memref_slice %arg2[%dma_wait3A_61, %dma_wait3A_62] : memref<1000x128xf32, #tpu.memory_space<hbm>> -> memref<1000x128xf32, #tpu.memory_space<hbm>>
    tpu.wait_indirect_dma semaphore(%arg8 : memref<!tpu.dma_semaphore, #tpu.memory_space<semaphore_mem>>) src(%dma_wait3A_63 : memref<1000x128xf32, #tpu.memory_space<hbm>>) dst(%arg6 : memref<128x128xf32, #tpu.memory_space<vmem>>)
    %add3A_64 = arith.constant 512 : i32
    %add3A_65 = arith.addi %mul3A_2, %add3A_64 : i32
    "tpu.region"() ({
      %run_scoped3A = tpu.sem_alloc : memref<!tpu.dma_semaphore, #tpu.memory_space<semaphore_mem>>
      %dma_start3A_97 = arith.constant 0 : i32
      %dma_start3A_98 = tpu.memref_slice %arg4[%add3A_65, %dma_start3A_97] : memref<32768x128xf32, #tpu.memory_space<hbm>> -> memref<128x128xf32, #tpu.memory_space<hbm>>
      %dma_start3A_99 = arith.constant 0 : i32
      %dma_start3A_100 = tpu.memref_slice %arg4[%add3A_65, %dma_start3A_99] : memref<32768x128xf32, #tpu.memory_space<hbm>> -> memref<128x128xf32, #tpu.memory_space<hbm>>
      tpu.enqueue_dma source(%arg6 : memref<128x128xf32, #tpu.memory_space<vmem>>) target(%dma_start3A_100 : memref<128x128xf32, #tpu.memory_space<hbm>>) target_semaphore(%run_scoped3A : memref<!tpu.dma_semaphore, #tpu.memory_space<semaphore_mem>>)
      %dma_wait3A_101 = arith.constant 0 : i32
      %dma_wait3A_102 = tpu.memref_slice %arg4[%add3A_65, %dma_wait3A_101] : memref<32768x128xf32, #tpu.memory_space<hbm>> -> memref<128x128xf32, #tpu.memory_space<hbm>>
      %dma_wait3A_103 = arith.constant 0 : i32
      %dma_wait3A_104 = tpu.memref_slice %arg4[%add3A_65, %dma_wait3A_103] : memref<32768x128xf32, #tpu.memory_space<hbm>> -> memref<128x128xf32, #tpu.memory_space<hbm>>
      tpu.wait_dma2 semaphore(%run_scoped3A : memref<!tpu.dma_semaphore, #tpu.memory_space<semaphore_mem>>) src(%arg6 : memref<128x128xf32, #tpu.memory_space<vmem>>) dst(%dma_wait3A_104 : memref<128x128xf32, #tpu.memory_space<hbm>>)
      tpu.yield
    }) : () -> ()
    %dma_start3A_66 = arith.constant 768 : i32
    %dma_start3A_67 = tpu.memref_slice %arg5[%dma_start3A_66] : memref<1024xi32, #tpu.memory_space<vmem>> -> memref<128xi32, #tpu.memory_space<vmem>>
    %dma_start3A_68 = arith.constant 0 : i32
    %dma_start3A_69 = arith.constant 0 : i32
    %dma_start3A_70 = tpu.memref_slice %arg2[%dma_start3A_68, %dma_start3A_69] : memref<1000x128xf32, #tpu.memory_space<hbm>> -> memref<1000x128xf32, #tpu.memory_space<hbm>>
    tpu.enqueue_indirect_dma source(%dma_start3A_70 : memref<1000x128xf32, #tpu.memory_space<hbm>>) target(%arg6 : memref<128x128xf32, #tpu.memory_space<vmem>>) offsets(%dma_start3A_67 : memref<128xi32, #tpu.memory_space<vmem>>) semaphore(%arg8 : memref<!tpu.dma_semaphore, #tpu.memory_space<semaphore_mem>>)
    %dma_wait3A_71 = arith.constant 640 : i32
    %dma_wait3A_72 = tpu.memref_slice %arg5[%dma_wait3A_71] : memref<1024xi32, #tpu.memory_space<vmem>> -> memref<128xi32, #tpu.memory_space<vmem>>
    %dma_wait3A_73 = arith.constant 0 : i32
    %dma_wait3A_74 = arith.constant 0 : i32
    %dma_wait3A_75 = tpu.memref_slice %arg2[%dma_wait3A_73, %dma_wait3A_74] : memref<1000x128xf32, #tpu.memory_space<hbm>> -> memref<1000x128xf32, #tpu.memory_space<hbm>>
    tpu.wait_indirect_dma semaphore(%arg9 : memref<!tpu.dma_semaphore, #tpu.memory_space<semaphore_mem>>) src(%dma_wait3A_75 : memref<1000x128xf32, #tpu.memory_space<hbm>>) dst(%arg7 : memref<128x128xf32, #tpu.memory_space<vmem>>)
    %add3A_76 = arith.constant 640 : i32
    %add3A_77 = arith.addi %mul3A_2, %add3A_76 : i32
    "tpu.region"() ({
      %run_scoped3A = tpu.sem_alloc : memref<!tpu.dma_semaphore, #tpu.memory_space<semaphore_mem>>
      %dma_start3A_97 = arith.constant 0 : i32
      %dma_start3A_98 = tpu.memref_slice %arg4[%add3A_77, %dma_start3A_97] : memref<32768x128xf32, #tpu.memory_space<hbm>> -> memref<128x128xf32, #tpu.memory_space<hbm>>
      %dma_start3A_99 = arith.constant 0 : i32
      %dma_start3A_100 = tpu.memref_slice %arg4[%add3A_77, %dma_start3A_99] : memref<32768x128xf32, #tpu.memory_space<hbm>> -> memref<128x128xf32, #tpu.memory_space<hbm>>
      tpu.enqueue_dma source(%arg7 : memref<128x128xf32, #tpu.memory_space<vmem>>) target(%dma_start3A_100 : memref<128x128xf32, #tpu.memory_space<hbm>>) target_semaphore(%run_scoped3A : memref<!tpu.dma_semaphore, #tpu.memory_space<semaphore_mem>>)
      %dma_wait3A_101 = arith.constant 0 : i32
      %dma_wait3A_102 = tpu.memref_slice %arg4[%add3A_77, %dma_wait3A_101] : memref<32768x128xf32, #tpu.memory_space<hbm>> -> memref<128x128xf32, #tpu.memory_space<hbm>>
      %dma_wait3A_103 = arith.constant 0 : i32
      %dma_wait3A_104 = tpu.memref_slice %arg4[%add3A_77, %dma_wait3A_103] : memref<32768x128xf32, #tpu.memory_space<hbm>> -> memref<128x128xf32, #tpu.memory_space<hbm>>
      tpu.wait_dma2 semaphore(%run_scoped3A : memref<!tpu.dma_semaphore, #tpu.memory_space<semaphore_mem>>) src(%arg7 : memref<128x128xf32, #tpu.memory_space<vmem>>) dst(%dma_wait3A_104 : memref<128x128xf32, #tpu.memory_space<hbm>>)
      tpu.yield
    }) : () -> ()
    %dma_start3A_78 = arith.constant 896 : i32
    %dma_start3A_79 = tpu.memref_slice %arg5[%dma_start3A_78] : memref<1024xi32, #tpu.memory_space<vmem>> -> memref<128xi32, #tpu.memory_space<vmem>>
    %dma_start3A_80 = arith.constant 0 : i32
    %dma_start3A_81 = arith.constant 0 : i32
    %dma_start3A_82 = tpu.memref_slice %arg2[%dma_start3A_80, %dma_start3A_81] : memref<1000x128xf32, #tpu.memory_space<hbm>> -> memref<1000x128xf32, #tpu.memory_space<hbm>>
    tpu.enqueue_indirect_dma source(%dma_start3A_82 : memref<1000x128xf32, #tpu.memory_space<hbm>>) target(%arg7 : memref<128x128xf32, #tpu.memory_space<vmem>>) offsets(%dma_start3A_79 : memref<128xi32, #tpu.memory_space<vmem>>) semaphore(%arg9 : memref<!tpu.dma_semaphore, #tpu.memory_space<semaphore_mem>>)
    %dma_wait3A_83 = arith.constant 768 : i32
    %dma_wait3A_84 = tpu.memref_slice %arg5[%dma_wait3A_83] : memref<1024xi32, #tpu.memory_space<vmem>> -> memref<128xi32, #tpu.memory_space<vmem>>
    %dma_wait3A_85 = arith.constant 0 : i32
    %dma_wait3A_86 = arith.constant 0 : i32
    %dma_wait3A_87 = tpu.memref_slice %arg2[%dma_wait3A_85, %dma_wait3A_86] : memref<1000x128xf32, #tpu.memory_space<hbm>> -> memref<1000x128xf32, #tpu.memory_space<hbm>>
    tpu.wait_indirect_dma semaphore(%arg8 : memref<!tpu.dma_semaphore, #tpu.memory_space<semaphore_mem>>) src(%dma_wait3A_87 : memref<1000x128xf32, #tpu.memory_space<hbm>>) dst(%arg6 : memref<128x128xf32, #tpu.memory_space<vmem>>)
    %add3A_88 = arith.constant 768 : i32
    %add3A_89 = arith.addi %mul3A_2, %add3A_88 : i32
    "tpu.region"() ({
      %run_scoped3A = tpu.sem_alloc : memref<!tpu.dma_semaphore, #tpu.memory_space<semaphore_mem>>
      %dma_start3A_97 = arith.constant 0 : i32
      %dma_start3A_98 = tpu.memref_slice %arg4[%add3A_89, %dma_start3A_97] : memref<32768x128xf32, #tpu.memory_space<hbm>> -> memref<128x128xf32, #tpu.memory_space<hbm>>
      %dma_start3A_99 = arith.constant 0 : i32
      %dma_start3A_100 = tpu.memref_slice %arg4[%add3A_89, %dma_start3A_99] : memref<32768x128xf32, #tpu.memory_space<hbm>> -> memref<128x128xf32, #tpu.memory_space<hbm>>
      tpu.enqueue_dma source(%arg6 : memref<128x128xf32, #tpu.memory_space<vmem>>) target(%dma_start3A_100 : memref<128x128xf32, #tpu.memory_space<hbm>>) target_semaphore(%run_scoped3A : memref<!tpu.dma_semaphore, #tpu.memory_space<semaphore_mem>>)
      %dma_wait3A_101 = arith.constant 0 : i32
      %dma_wait3A_102 = tpu.memref_slice %arg4[%add3A_89, %dma_wait3A_101] : memref<32768x128xf32, #tpu.memory_space<hbm>> -> memref<128x128xf32, #tpu.memory_space<hbm>>
      %dma_wait3A_103 = arith.constant 0 : i32
      %dma_wait3A_104 = tpu.memref_slice %arg4[%add3A_89, %dma_wait3A_103] : memref<32768x128xf32, #tpu.memory_space<hbm>> -> memref<128x128xf32, #tpu.memory_space<hbm>>
      tpu.wait_dma2 semaphore(%run_scoped3A : memref<!tpu.dma_semaphore, #tpu.memory_space<semaphore_mem>>) src(%arg6 : memref<128x128xf32, #tpu.memory_space<vmem>>) dst(%dma_wait3A_104 : memref<128x128xf32, #tpu.memory_space<hbm>>)
      tpu.yield
    }) : () -> ()
    %dma_wait3A_90 = arith.constant 896 : i32
    %dma_wait3A_91 = tpu.memref_slice %arg5[%dma_wait3A_90] : memref<1024xi32, #tpu.memory_space<vmem>> -> memref<128xi32, #tpu.memory_space<vmem>>
    %dma_wait3A_92 = arith.constant 0 : i32
    %dma_wait3A_93 = arith.constant 0 : i32
    %dma_wait3A_94 = tpu.memref_slice %arg2[%dma_wait3A_92, %dma_wait3A_93] : memref<1000x128xf32, #tpu.memory_space<hbm>> -> memref<1000x128xf32, #tpu.memory_space<hbm>>
    tpu.wait_indirect_dma semaphore(%arg9 : memref<!tpu.dma_semaphore, #tpu.memory_space<semaphore_mem>>) src(%dma_wait3A_94 : memref<1000x128xf32, #tpu.memory_space<hbm>>) dst(%arg7 : memref<128x128xf32, #tpu.memory_space<vmem>>)
    %add3A_95 = arith.constant 896 : i32
    %add3A_96 = arith.addi %mul3A_2, %add3A_95 : i32
    "tpu.region"() ({
      %run_scoped3A = tpu.sem_alloc : memref<!tpu.dma_semaphore, #tpu.memory_space<semaphore_mem>>
      %dma_start3A_97 = arith.constant 0 : i32
      %dma_start3A_98 = tpu.memref_slice %arg4[%add3A_96, %dma_start3A_97] : memref<32768x128xf32, #tpu.memory_space<hbm>> -> memref<128x128xf32, #tpu.memory_space<hbm>>
      %dma_start3A_99 = arith.constant 0 : i32
      %dma_start3A_100 = tpu.memref_slice %arg4[%add3A_96, %dma_start3A_99] : memref<32768x128xf32, #tpu.memory_space<hbm>> -> memref<128x128xf32, #tpu.memory_space<hbm>>
      tpu.enqueue_dma source(%arg7 : memref<128x128xf32, #tpu.memory_space<vmem>>) target(%dma_start3A_100 : memref<128x128xf32, #tpu.memory_space<hbm>>) target_semaphore(%run_scoped3A : memref<!tpu.dma_semaphore, #tpu.memory_space<semaphore_mem>>)
      %dma_wait3A_101 = arith.constant 0 : i32
      %dma_wait3A_102 = tpu.memref_slice %arg4[%add3A_96, %dma_wait3A_101] : memref<32768x128xf32, #tpu.memory_space<hbm>> -> memref<128x128xf32, #tpu.memory_space<hbm>>
      %dma_wait3A_103 = arith.constant 0 : i32
      %dma_wait3A_104 = tpu.memref_slice %arg4[%add3A_96, %dma_wait3A_103] : memref<32768x128xf32, #tpu.memory_space<hbm>> -> memref<128x128xf32, #tpu.memory_space<hbm>>
      tpu.wait_dma2 semaphore(%run_scoped3A : memref<!tpu.dma_semaphore, #tpu.memory_space<semaphore_mem>>) src(%arg7 : memref<128x128xf32, #tpu.memory_space<vmem>>) dst(%dma_wait3A_104 : memref<128x128xf32, #tpu.memory_space<hbm>>)
      tpu.yield
    }) : () -> ()
    return
  }
}

#map = affine_map<(d0, d1) -> (0, 0)>
#map1 = affine_map<(d0, d1) -> (0)>
module attributes {stable_mosaic.version = 14 : i64} {
  func.func @_gather_codebook(%arg0: i32, %arg1: i32, %arg2: memref<1000x128xf32, #tpu.memory_space<hbm>>, %arg3: memref<32768xi32, #tpu.memory_space<hbm>>, %arg4: memref<32768x128xf32, #tpu.memory_space<hbm>>, %arg5: memref<1024xi32, #tpu.memory_space<vmem>>, %arg6: memref<128x128xf32, #tpu.memory_space<vmem>>, %arg7: memref<128x128xf32, #tpu.memory_space<vmem>>, %arg8: memref<!tpu.dma_semaphore, #tpu.memory_space<semaphore_mem>>, %arg9: memref<!tpu.dma_semaphore, #tpu.memory_space<semaphore_mem>>) attributes {dimension_semantics = [#tpu.dimension_semantics<core_parallel>, #tpu.dimension_semantics<subcore_parallel>], iteration_bounds = array<i64: 2, 16>, scalar_prefetch = 0 : i64, scratch_operands = 5 : i64, tpu.core_type = #tpu.core_type<sc_vector_subcore>, window_params = [{transform_indices = #map}, {transform_indices = #map1}, {transform_indices = #map}]} {
    %mul3A = arith.constant 2 : i32
    %mul3A_0 = arith.muli %arg1, %mul3A : i32
    %add3A = arith.addi %mul3A_0, %arg0 : i32
    %mul3A_1 = arith.constant 1024 : i32
    %mul3A_2 = arith.muli %add3A, %mul3A_1 : i32
    "tpu.region"() ({
      %run_scoped3A = tpu.sem_alloc : memref<!tpu.dma_semaphore, #tpu.memory_space<semaphore_mem>>
      %dma_start3A_97 = tpu.memref_slice %arg3[%mul3A_2] : memref<32768xi32, #tpu.memory_space<hbm>> -> memref<1024xi32, #tpu.memory_space<hbm>>
      %dma_start3A_98 = tpu.memref_slice %arg3[%mul3A_2] : memref<32768xi32, #tpu.memory_space<hbm>> -> memref<1024xi32, #tpu.memory_space<hbm>>
      tpu.enqueue_dma source(%dma_start3A_98 : memref<1024xi32, #tpu.memory_space<hbm>>) target(%arg5 : memref<1024xi32, #tpu.memory_space<vmem>>) target_semaphore(%run_scoped3A : memref<!tpu.dma_semaphore, #tpu.memory_space<semaphore_mem>>)
      %dma_wait3A_99 = tpu.memref_slice %arg3[%mul3A_2] : memref<32768xi32, #tpu.memory_space<hbm>> -> memref<1024xi32, #tpu.memory_space<hbm>>
      %dma_wait3A_100 = tpu.memref_slice %arg3[%mul3A_2] : memref<32768xi32, #tpu.memory_space<hbm>> -> memref<1024xi32, #tpu.memory_space<hbm>>
      tpu.wait_dma2 semaphore(%run_scoped3A : memref<!tpu.dma_semaphore, #tpu.memory_space<semaphore_mem>>) src(%dma_wait3A_100 : memref<1024xi32, #tpu.memory_space<hbm>>) dst(%arg5 : memref<1024xi32, #tpu.memory_space<vmem>>)
      tpu.yield
    }) : () -> ()
    %dma_start3A = arith.constant 0 : i32
    %dma_start3A_3 = tpu.memref_slice %arg5[%dma_start3A] : memref<1024xi32, #tpu.memory_space<vmem>> -> memref<128xi32, #tpu.memory_space<vmem>>
    %dma_start3A_4 = arith.constant 0 : i32
    %dma_start3A_5 = arith.constant 0 : i32
    %dma_start3A_6 = tpu.memref_slice %arg2[%dma_start3A_4, %dma_start3A_5] : memref<1000x128xf32, #tpu.memory_space<hbm>> -> memref<1000x128xf32, #tpu.memory_space<hbm>>
    tpu.enqueue_indirect_dma source(%dma_start3A_6 : memref<1000x128xf32, #tpu.memory_space<hbm>>) target(%arg6 : memref<128x128xf32, #tpu.memory_space<vmem>>) offsets(%dma_start3A_3 : memref<128xi32, #tpu.memory_space<vmem>>) semaphore(%arg8 : memref<!tpu.dma_semaphore, #tpu.memory_space<semaphore_mem>>)
    %dma_start3A_7 = arith.constant 128 : i32
    %dma_start3A_8 = tpu.memref_slice %arg5[%dma_start3A_7] : memref<1024xi32, #tpu.memory_space<vmem>> -> memref<128xi32, #tpu.memory_space<vmem>>
    %dma_start3A_9 = arith.constant 0 : i32
    %dma_start3A_10 = arith.constant 0 : i32
    %dma_start3A_11 = tpu.memref_slice %arg2[%dma_start3A_9, %dma_start3A_10] : memref<1000x128xf32, #tpu.memory_space<hbm>> -> memref<1000x128xf32, #tpu.memory_space<hbm>>
    tpu.enqueue_indirect_dma source(%dma_start3A_11 : memref<1000x128xf32, #tpu.memory_space<hbm>>) target(%arg7 : memref<128x128xf32, #tpu.memory_space<vmem>>) offsets(%dma_start3A_8 : memref<128xi32, #tpu.memory_space<vmem>>) semaphore(%arg9 : memref<!tpu.dma_semaphore, #tpu.memory_space<semaphore_mem>>)
    %dma_wait3A = arith.constant 0 : i32
    %dma_wait3A_12 = tpu.memref_slice %arg5[%dma_wait3A] : memref<1024xi32, #tpu.memory_space<vmem>> -> memref<128xi32, #tpu.memory_space<vmem>>
    %dma_wait3A_13 = arith.constant 0 : i32
    %dma_wait3A_14 = arith.constant 0 : i32
    %dma_wait3A_15 = tpu.memref_slice %arg2[%dma_wait3A_13, %dma_wait3A_14] : memref<1000x128xf32, #tpu.memory_space<hbm>> -> memref<1000x128xf32, #tpu.memory_space<hbm>>
    tpu.wait_indirect_dma semaphore(%arg8 : memref<!tpu.dma_semaphore, #tpu.memory_space<semaphore_mem>>) src(%dma_wait3A_15 : memref<1000x128xf32, #tpu.memory_space<hbm>>) dst(%arg6 : memref<128x128xf32, #tpu.memory_space<vmem>>)
    %add3A_16 = arith.constant 0 : i32
    %add3A_17 = arith.addi %mul3A_2, %add3A_16 : i32
    "tpu.region"() ({
      %run_scoped3A = tpu.sem_alloc : memref<!tpu.dma_semaphore, #tpu.memory_space<semaphore_mem>>
      %dma_start3A_97 = arith.constant 0 : i32
      %dma_start3A_98 = tpu.memref_slice %arg4[%add3A_17, %dma_start3A_97] : memref<32768x128xf32, #tpu.memory_space<hbm>> -> memref<128x128xf32, #tpu.memory_space<hbm>>
      %dma_start3A_99 = arith.constant 0 : i32
      %dma_start3A_100 = tpu.memref_slice %arg4[%add3A_17, %dma_start3A_99] : memref<32768x128xf32, #tpu.memory_space<hbm>> -> memref<128x128xf32, #tpu.memory_space<hbm>>
      tpu.enqueue_dma source(%arg6 : memref<128x128xf32, #tpu.memory_space<vmem>>) target(%dma_start3A_100 : memref<128x128xf32, #tpu.memory_space<hbm>>) target_semaphore(%run_scoped3A : memref<!tpu.dma_semaphore, #tpu.memory_space<semaphore_mem>>)
      %dma_wait3A_101 = arith.constant 0 : i32
      %dma_wait3A_102 = tpu.memref_slice %arg4[%add3A_17, %dma_wait3A_101] : memref<32768x128xf32, #tpu.memory_space<hbm>> -> memref<128x128xf32, #tpu.memory_space<hbm>>
      %dma_wait3A_103 = arith.constant 0 : i32
      %dma_wait3A_104 = tpu.memref_slice %arg4[%add3A_17, %dma_wait3A_103] : memref<32768x128xf32, #tpu.memory_space<hbm>> -> memref<128x128xf32, #tpu.memory_space<hbm>>
      tpu.wait_dma2 semaphore(%run_scoped3A : memref<!tpu.dma_semaphore, #tpu.memory_space<semaphore_mem>>) src(%arg6 : memref<128x128xf32, #tpu.memory_space<vmem>>) dst(%dma_wait3A_104 : memref<128x128xf32, #tpu.memory_space<hbm>>)
      tpu.yield
    }) : () -> ()
    %dma_start3A_18 = arith.constant 256 : i32
    %dma_start3A_19 = tpu.memref_slice %arg5[%dma_start3A_18] : memref<1024xi32, #tpu.memory_space<vmem>> -> memref<128xi32, #tpu.memory_space<vmem>>
    %dma_start3A_20 = arith.constant 0 : i32
    %dma_start3A_21 = arith.constant 0 : i32
    %dma_start3A_22 = tpu.memref_slice %arg2[%dma_start3A_20, %dma_start3A_21] : memref<1000x128xf32, #tpu.memory_space<hbm>> -> memref<1000x128xf32, #tpu.memory_space<hbm>>
    tpu.enqueue_indirect_dma source(%dma_start3A_22 : memref<1000x128xf32, #tpu.memory_space<hbm>>) target(%arg6 : memref<128x128xf32, #tpu.memory_space<vmem>>) offsets(%dma_start3A_19 : memref<128xi32, #tpu.memory_space<vmem>>) semaphore(%arg8 : memref<!tpu.dma_semaphore, #tpu.memory_space<semaphore_mem>>)
    %dma_wait3A_23 = arith.constant 128 : i32
    %dma_wait3A_24 = tpu.memref_slice %arg5[%dma_wait3A_23] : memref<1024xi32, #tpu.memory_space<vmem>> -> memref<128xi32, #tpu.memory_space<vmem>>
    %dma_wait3A_25 = arith.constant 0 : i32
    %dma_wait3A_26 = arith.constant 0 : i32
    %dma_wait3A_27 = tpu.memref_slice %arg2[%dma_wait3A_25, %dma_wait3A_26] : memref<1000x128xf32, #tpu.memory_space<hbm>> -> memref<1000x128xf32, #tpu.memory_space<hbm>>
    tpu.wait_indirect_dma semaphore(%arg9 : memref<!tpu.dma_semaphore, #tpu.memory_space<semaphore_mem>>) src(%dma_wait3A_27 : memref<1000x128xf32, #tpu.memory_space<hbm>>) dst(%arg7 : memref<128x128xf32, #tpu.memory_space<vmem>>)
    %add3A_28 = arith.constant 128 : i32
    %add3A_29 = arith.addi %mul3A_2, %add3A_28 : i32
    "tpu.region"() ({
      %run_scoped3A = tpu.sem_alloc : memref<!tpu.dma_semaphore, #tpu.memory_space<semaphore_mem>>
      %dma_start3A_97 = arith.constant 0 : i32
      %dma_start3A_98 = tpu.memref_slice %arg4[%add3A_29, %dma_start3A_97] : memref<32768x128xf32, #tpu.memory_space<hbm>> -> memref<128x128xf32, #tpu.memory_space<hbm>>
      %dma_start3A_99 = arith.constant 0 : i32
      %dma_start3A_100 = tpu.memref_slice %arg4[%add3A_29, %dma_start3A_99] : memref<32768x128xf32, #tpu.memory_space<hbm>> -> memref<128x128xf32, #tpu.memory_space<hbm>>
      tpu.enqueue_dma source(%arg7 : memref<128x128xf32, #tpu.memory_space<vmem>>) target(%dma_start3A_100 : memref<128x128xf32, #tpu.memory_space<hbm>>) target_semaphore(%run_scoped3A : memref<!tpu.dma_semaphore, #tpu.memory_space<semaphore_mem>>)
      %dma_wait3A_101 = arith.constant 0 : i32
      %dma_wait3A_102 = tpu.memref_slice %arg4[%add3A_29, %dma_wait3A_101] : memref<32768x128xf32, #tpu.memory_space<hbm>> -> memref<128x128xf32, #tpu.memory_space<hbm>>
      %dma_wait3A_103 = arith.constant 0 : i32
      %dma_wait3A_104 = tpu.memref_slice %arg4[%add3A_29, %dma_wait3A_103] : memref<32768x128xf32, #tpu.memory_space<hbm>> -> memref<128x128xf32, #tpu.memory_space<hbm>>
      tpu.wait_dma2 semaphore(%run_scoped3A : memref<!tpu.dma_semaphore, #tpu.memory_space<semaphore_mem>>) src(%arg7 : memref<128x128xf32, #tpu.memory_space<vmem>>) dst(%dma_wait3A_104 : memref<128x128xf32, #tpu.memory_space<hbm>>)
      tpu.yield
    }) : () -> ()
    %dma_start3A_30 = arith.constant 384 : i32
    %dma_start3A_31 = tpu.memref_slice %arg5[%dma_start3A_30] : memref<1024xi32, #tpu.memory_space<vmem>> -> memref<128xi32, #tpu.memory_space<vmem>>
    %dma_start3A_32 = arith.constant 0 : i32
    %dma_start3A_33 = arith.constant 0 : i32
    %dma_start3A_34 = tpu.memref_slice %arg2[%dma_start3A_32, %dma_start3A_33] : memref<1000x128xf32, #tpu.memory_space<hbm>> -> memref<1000x128xf32, #tpu.memory_space<hbm>>
    tpu.enqueue_indirect_dma source(%dma_start3A_34 : memref<1000x128xf32, #tpu.memory_space<hbm>>) target(%arg7 : memref<128x128xf32, #tpu.memory_space<vmem>>) offsets(%dma_start3A_31 : memref<128xi32, #tpu.memory_space<vmem>>) semaphore(%arg9 : memref<!tpu.dma_semaphore, #tpu.memory_space<semaphore_mem>>)
    %dma_wait3A_35 = arith.constant 256 : i32
    %dma_wait3A_36 = tpu.memref_slice %arg5[%dma_wait3A_35] : memref<1024xi32, #tpu.memory_space<vmem>> -> memref<128xi32, #tpu.memory_space<vmem>>
    %dma_wait3A_37 = arith.constant 0 : i32
    %dma_wait3A_38 = arith.constant 0 : i32
    %dma_wait3A_39 = tpu.memref_slice %arg2[%dma_wait3A_37, %dma_wait3A_38] : memref<1000x128xf32, #tpu.memory_space<hbm>> -> memref<1000x128xf32, #tpu.memory_space<hbm>>
    tpu.wait_indirect_dma semaphore(%arg8 : memref<!tpu.dma_semaphore, #tpu.memory_space<semaphore_mem>>) src(%dma_wait3A_39 : memref<1000x128xf32, #tpu.memory_space<hbm>>) dst(%arg6 : memref<128x128xf32, #tpu.memory_space<vmem>>)
    %add3A_40 = arith.constant 256 : i32
    %add3A_41 = arith.addi %mul3A_2, %add3A_40 : i32
    "tpu.region"() ({
      %run_scoped3A = tpu.sem_alloc : memref<!tpu.dma_semaphore, #tpu.memory_space<semaphore_mem>>
      %dma_start3A_97 = arith.constant 0 : i32
      %dma_start3A_98 = tpu.memref_slice %arg4[%add3A_41, %dma_start3A_97] : memref<32768x128xf32, #tpu.memory_space<hbm>> -> memref<128x128xf32, #tpu.memory_space<hbm>>
      %dma_start3A_99 = arith.constant 0 : i32
      %dma_start3A_100 = tpu.memref_slice %arg4[%add3A_41, %dma_start3A_99] : memref<32768x128xf32, #tpu.memory_space<hbm>> -> memref<128x128xf32, #tpu.memory_space<hbm>>
      tpu.enqueue_dma source(%arg6 : memref<128x128xf32, #tpu.memory_space<vmem>>) target(%dma_start3A_100 : memref<128x128xf32, #tpu.memory_space<hbm>>) target_semaphore(%run_scoped3A : memref<!tpu.dma_semaphore, #tpu.memory_space<semaphore_mem>>)
      %dma_wait3A_101 = arith.constant 0 : i32
      %dma_wait3A_102 = tpu.memref_slice %arg4[%add3A_41, %dma_wait3A_101] : memref<32768x128xf32, #tpu.memory_space<hbm>> -> memref<128x128xf32, #tpu.memory_space<hbm>>
      %dma_wait3A_103 = arith.constant 0 : i32
      %dma_wait3A_104 = tpu.memref_slice %arg4[%add3A_41, %dma_wait3A_103] : memref<32768x128xf32, #tpu.memory_space<hbm>> -> memref<128x128xf32, #tpu.memory_space<hbm>>
      tpu.wait_dma2 semaphore(%run_scoped3A : memref<!tpu.dma_semaphore, #tpu.memory_space<semaphore_mem>>) src(%arg6 : memref<128x128xf32, #tpu.memory_space<vmem>>) dst(%dma_wait3A_104 : memref<128x128xf32, #tpu.memory_space<hbm>>)
      tpu.yield
    }) : () -> ()
    %dma_start3A_42 = arith.constant 512 : i32
    %dma_start3A_43 = tpu.memref_slice %arg5[%dma_start3A_42] : memref<1024xi32, #tpu.memory_space<vmem>> -> memref<128xi32, #tpu.memory_space<vmem>>
    %dma_start3A_44 = arith.constant 0 : i32
    %dma_start3A_45 = arith.constant 0 : i32
    %dma_start3A_46 = tpu.memref_slice %arg2[%dma_start3A_44, %dma_start3A_45] : memref<1000x128xf32, #tpu.memory_space<hbm>> -> memref<1000x128xf32, #tpu.memory_space<hbm>>
    tpu.enqueue_indirect_dma source(%dma_start3A_46 : memref<1000x128xf32, #tpu.memory_space<hbm>>) target(%arg6 : memref<128x128xf32, #tpu.memory_space<vmem>>) offsets(%dma_start3A_43 : memref<128xi32, #tpu.memory_space<vmem>>) semaphore(%arg8 : memref<!tpu.dma_semaphore, #tpu.memory_space<semaphore_mem>>)
    %dma_wait3A_47 = arith.constant 384 : i32
    %dma_wait3A_48 = tpu.memref_slice %arg5[%dma_wait3A_47] : memref<1024xi32, #tpu.memory_space<vmem>> -> memref<128xi32, #tpu.memory_space<vmem>>
    %dma_wait3A_49 = arith.constant 0 : i32
    %dma_wait3A_50 = arith.constant 0 : i32
    %dma_wait3A_51 = tpu.memref_slice %arg2[%dma_wait3A_49, %dma_wait3A_50] : memref<1000x128xf32, #tpu.memory_space<hbm>> -> memref<1000x128xf32, #tpu.memory_space<hbm>>
    tpu.wait_indirect_dma semaphore(%arg9 : memref<!tpu.dma_semaphore, #tpu.memory_space<semaphore_mem>>) src(%dma_wait3A_51 : memref<1000x128xf32, #tpu.memory_space<hbm>>) dst(%arg7 : memref<128x128xf32, #tpu.memory_space<vmem>>)
    %add3A_52 = arith.constant 384 : i32
    %add3A_53 = arith.addi %mul3A_2, %add3A_52 : i32
    "tpu.region"() ({
      %run_scoped3A = tpu.sem_alloc : memref<!tpu.dma_semaphore, #tpu.memory_space<semaphore_mem>>
      %dma_start3A_97 = arith.constant 0 : i32
      %dma_start3A_98 = tpu.memref_slice %arg4[%add3A_53, %dma_start3A_97] : memref<32768x128xf32, #tpu.memory_space<hbm>> -> memref<128x128xf32, #tpu.memory_space<hbm>>
      %dma_start3A_99 = arith.constant 0 : i32
      %dma_start3A_100 = tpu.memref_slice %arg4[%add3A_53, %dma_start3A_99] : memref<32768x128xf32, #tpu.memory_space<hbm>> -> memref<128x128xf32, #tpu.memory_space<hbm>>
      tpu.enqueue_dma source(%arg7 : memref<128x128xf32, #tpu.memory_space<vmem>>) target(%dma_start3A_100 : memref<128x128xf32, #tpu.memory_space<hbm>>) target_semaphore(%run_scoped3A : memref<!tpu.dma_semaphore, #tpu.memory_space<semaphore_mem>>)
      %dma_wait3A_101 = arith.constant 0 : i32
      %dma_wait3A_102 = tpu.memref_slice %arg4[%add3A_53, %dma_wait3A_101] : memref<32768x128xf32, #tpu.memory_space<hbm>> -> memref<128x128xf32, #tpu.memory_space<hbm>>
      %dma_wait3A_103 = arith.constant 0 : i32
      %dma_wait3A_104 = tpu.memref_slice %arg4[%add3A_53, %dma_wait3A_103] : memref<32768x128xf32, #tpu.memory_space<hbm>> -> memref<128x128xf32, #tpu.memory_space<hbm>>
      tpu.wait_dma2 semaphore(%run_scoped3A : memref<!tpu.dma_semaphore, #tpu.memory_space<semaphore_mem>>) src(%arg7 : memref<128x128xf32, #tpu.memory_space<vmem>>) dst(%dma_wait3A_104 : memref<128x128xf32, #tpu.memory_space<hbm>>)
      tpu.yield
    }) : () -> ()
    %dma_start3A_54 = arith.constant 640 : i32
    %dma_start3A_55 = tpu.memref_slice %arg5[%dma_start3A_54] : memref<1024xi32, #tpu.memory_space<vmem>> -> memref<128xi32, #tpu.memory_space<vmem>>
    %dma_start3A_56 = arith.constant 0 : i32
    %dma_start3A_57 = arith.constant 0 : i32
    %dma_start3A_58 = tpu.memref_slice %arg2[%dma_start3A_56, %dma_start3A_57] : memref<1000x128xf32, #tpu.memory_space<hbm>> -> memref<1000x128xf32, #tpu.memory_space<hbm>>
    tpu.enqueue_indirect_dma source(%dma_start3A_58 : memref<1000x128xf32, #tpu.memory_space<hbm>>) target(%arg7 : memref<128x128xf32, #tpu.memory_space<vmem>>) offsets(%dma_start3A_55 : memref<128xi32, #tpu.memory_space<vmem>>) semaphore(%arg9 : memref<!tpu.dma_semaphore, #tpu.memory_space<semaphore_mem>>)
    %dma_wait3A_59 = arith.constant 512 : i32
    %dma_wait3A_60 = tpu.memref_slice %arg5[%dma_wait3A_59] : memref<1024xi32, #tpu.memory_space<vmem>> -> memref<128xi32, #tpu.memory_space<vmem>>
    %dma_wait3A_61 = arith.constant 0 : i32
    %dma_wait3A_62 = arith.constant 0 : i32
    %dma_wait3A_63 = tpu.memref_slice %arg2[%dma_wait3A_61, %dma_wait3A_62] : memref<1000x128xf32, #tpu.memory_space<hbm>> -> memref<1000x128xf32, #tpu.memory_space<hbm>>
    tpu.wait_indirect_dma semaphore(%arg8 : memref<!tpu.dma_semaphore, #tpu.memory_space<semaphore_mem>>) src(%dma_wait3A_63 : memref<1000x128xf32, #tpu.memory_space<hbm>>) dst(%arg6 : memref<128x128xf32, #tpu.memory_space<vmem>>)
    %add3A_64 = arith.constant 512 : i32
    %add3A_65 = arith.addi %mul3A_2, %add3A_64 : i32
    "tpu.region"() ({
      %run_scoped3A = tpu.sem_alloc : memref<!tpu.dma_semaphore, #tpu.memory_space<semaphore_mem>>
      %dma_start3A_97 = arith.constant 0 : i32
      %dma_start3A_98 = tpu.memref_slice %arg4[%add3A_65, %dma_start3A_97] : memref<32768x128xf32, #tpu.memory_space<hbm>> -> memref<128x128xf32, #tpu.memory_space<hbm>>
      %dma_start3A_99 = arith.constant 0 : i32
      %dma_start3A_100 = tpu.memref_slice %arg4[%add3A_65, %dma_start3A_99] : memref<32768x128xf32, #tpu.memory_space<hbm>> -> memref<128x128xf32, #tpu.memory_space<hbm>>
      tpu.enqueue_dma source(%arg6 : memref<128x128xf32, #tpu.memory_space<vmem>>) target(%dma_start3A_100 : memref<128x128xf32, #tpu.memory_space<hbm>>) target_semaphore(%run_scoped3A : memref<!tpu.dma_semaphore, #tpu.memory_space<semaphore_mem>>)
      %dma_wait3A_101 = arith.constant 0 : i32
      %dma_wait3A_102 = tpu.memref_slice %arg4[%add3A_65, %dma_wait3A_101] : memref<32768x128xf32, #tpu.memory_space<hbm>> -> memref<128x128xf32, #tpu.memory_space<hbm>>
      %dma_wait3A_103 = arith.constant 0 : i32
      %dma_wait3A_104 = tpu.memref_slice %arg4[%add3A_65, %dma_wait3A_103] : memref<32768x128xf32, #tpu.memory_space<hbm>> -> memref<128x128xf32, #tpu.memory_space<hbm>>
      tpu.wait_dma2 semaphore(%run_scoped3A : memref<!tpu.dma_semaphore, #tpu.memory_space<semaphore_mem>>) src(%arg6 : memref<128x128xf32, #tpu.memory_space<vmem>>) dst(%dma_wait3A_104 : memref<128x128xf32, #tpu.memory_space<hbm>>)
      tpu.yield
    }) : () -> ()
    %dma_start3A_66 = arith.constant 768 : i32
    %dma_start3A_67 = tpu.memref_slice %arg5[%dma_start3A_66] : memref<1024xi32, #tpu.memory_space<vmem>> -> memref<128xi32, #tpu.memory_space<vmem>>
    %dma_start3A_68 = arith.constant 0 : i32
    %dma_start3A_69 = arith.constant 0 : i32
    %dma_start3A_70 = tpu.memref_slice %arg2[%dma_start3A_68, %dma_start3A_69] : memref<1000x128xf32, #tpu.memory_space<hbm>> -> memref<1000x128xf32, #tpu.memory_space<hbm>>
    tpu.enqueue_indirect_dma source(%dma_start3A_70 : memref<1000x128xf32, #tpu.memory_space<hbm>>) target(%arg6 : memref<128x128xf32, #tpu.memory_space<vmem>>) offsets(%dma_start3A_67 : memref<128xi32, #tpu.memory_space<vmem>>) semaphore(%arg8 : memref<!tpu.dma_semaphore, #tpu.memory_space<semaphore_mem>>)
    %dma_wait3A_71 = arith.constant 640 : i32
    %dma_wait3A_72 = tpu.memref_slice %arg5[%dma_wait3A_71] : memref<1024xi32, #tpu.memory_space<vmem>> -> memref<128xi32, #tpu.memory_space<vmem>>
    %dma_wait3A_73 = arith.constant 0 : i32
    %dma_wait3A_74 = arith.constant 0 : i32
    %dma_wait3A_75 = tpu.memref_slice %arg2[%dma_wait3A_73, %dma_wait3A_74] : memref<1000x128xf32, #tpu.memory_space<hbm>> -> memref<1000x128xf32, #tpu.memory_space<hbm>>
    tpu.wait_indirect_dma semaphore(%arg9 : memref<!tpu.dma_semaphore, #tpu.memory_space<semaphore_mem>>) src(%dma_wait3A_75 : memref<1000x128xf32, #tpu.memory_space<hbm>>) dst(%arg7 : memref<128x128xf32, #tpu.memory_space<vmem>>)
    %add3A_76 = arith.constant 640 : i32
    %add3A_77 = arith.addi %mul3A_2, %add3A_76 : i32
    "tpu.region"() ({
      %run_scoped3A = tpu.sem_alloc : memref<!tpu.dma_semaphore, #tpu.memory_space<semaphore_mem>>
      %dma_start3A_97 = arith.constant 0 : i32
      %dma_start3A_98 = tpu.memref_slice %arg4[%add3A_77, %dma_start3A_97] : memref<32768x128xf32, #tpu.memory_space<hbm>> -> memref<128x128xf32, #tpu.memory_space<hbm>>
      %dma_start3A_99 = arith.constant 0 : i32
      %dma_start3A_100 = tpu.memref_slice %arg4[%add3A_77, %dma_start3A_99] : memref<32768x128xf32, #tpu.memory_space<hbm>> -> memref<128x128xf32, #tpu.memory_space<hbm>>
      tpu.enqueue_dma source(%arg7 : memref<128x128xf32, #tpu.memory_space<vmem>>) target(%dma_start3A_100 : memref<128x128xf32, #tpu.memory_space<hbm>>) target_semaphore(%run_scoped3A : memref<!tpu.dma_semaphore, #tpu.memory_space<semaphore_mem>>)
      %dma_wait3A_101 = arith.constant 0 : i32
      %dma_wait3A_102 = tpu.memref_slice %arg4[%add3A_77, %dma_wait3A_101] : memref<32768x128xf32, #tpu.memory_space<hbm>> -> memref<128x128xf32, #tpu.memory_space<hbm>>
      %dma_wait3A_103 = arith.constant 0 : i32
      %dma_wait3A_104 = tpu.memref_slice %arg4[%add3A_77, %dma_wait3A_103] : memref<32768x128xf32, #tpu.memory_space<hbm>> -> memref<128x128xf32, #tpu.memory_space<hbm>>
      tpu.wait_dma2 semaphore(%run_scoped3A : memref<!tpu.dma_semaphore, #tpu.memory_space<semaphore_mem>>) src(%arg7 : memref<128x128xf32, #tpu.memory_space<vmem>>) dst(%dma_wait3A_104 : memref<128x128xf32, #tpu.memory_space<hbm>>)
      tpu.yield
    }) : () -> ()
    %dma_start3A_78 = arith.constant 896 : i32
    %dma_start3A_79 = tpu.memref_slice %arg5[%dma_start3A_78] : memref<1024xi32, #tpu.memory_space<vmem>> -> memref<128xi32, #tpu.memory_space<vmem>>
    %dma_start3A_80 = arith.constant 0 : i32
    %dma_start3A_81 = arith.constant 0 : i32
    %dma_start3A_82 = tpu.memref_slice %arg2[%dma_start3A_80, %dma_start3A_81] : memref<1000x128xf32, #tpu.memory_space<hbm>> -> memref<1000x128xf32, #tpu.memory_space<hbm>>
    tpu.enqueue_indirect_dma source(%dma_start3A_82 : memref<1000x128xf32, #tpu.memory_space<hbm>>) target(%arg7 : memref<128x128xf32, #tpu.memory_space<vmem>>) offsets(%dma_start3A_79 : memref<128xi32, #tpu.memory_space<vmem>>) semaphore(%arg9 : memref<!tpu.dma_semaphore, #tpu.memory_space<semaphore_mem>>)
    %dma_wait3A_83 = arith.constant 768 : i32
    %dma_wait3A_84 = tpu.memref_slice %arg5[%dma_wait3A_83] : memref<1024xi32, #tpu.memory_space<vmem>> -> memref<128xi32, #tpu.memory_space<vmem>>
    %dma_wait3A_85 = arith.constant 0 : i32
    %dma_wait3A_86 = arith.constant 0 : i32
    %dma_wait3A_87 = tpu.memref_slice %arg2[%dma_wait3A_85, %dma_wait3A_86] : memref<1000x128xf32, #tpu.memory_space<hbm>> -> memref<1000x128xf32, #tpu.memory_space<hbm>>
    tpu.wait_indirect_dma semaphore(%arg8 : memref<!tpu.dma_semaphore, #tpu.memory_space<semaphore_mem>>) src(%dma_wait3A_87 : memref<1000x128xf32, #tpu.memory_space<hbm>>) dst(%arg6 : memref<128x128xf32, #tpu.memory_space<vmem>>)
    %add3A_88 = arith.constant 768 : i32
    %add3A_89 = arith.addi %mul3A_2, %add3A_88 : i32
    "tpu.region"() ({
      %run_scoped3A = tpu.sem_alloc : memref<!tpu.dma_semaphore, #tpu.memory_space<semaphore_mem>>
      %dma_start3A_97 = arith.constant 0 : i32
      %dma_start3A_98 = tpu.memref_slice %arg4[%add3A_89, %dma_start3A_97] : memref<32768x128xf32, #tpu.memory_space<hbm>> -> memref<128x128xf32, #tpu.memory_space<hbm>>
      %dma_start3A_99 = arith.constant 0 : i32
      %dma_start3A_100 = tpu.memref_slice %arg4[%add3A_89, %dma_start3A_99] : memref<32768x128xf32, #tpu.memory_space<hbm>> -> memref<128x128xf32, #tpu.memory_space<hbm>>
      tpu.enqueue_dma source(%arg6 : memref<128x128xf32, #tpu.memory_space<vmem>>) target(%dma_start3A_100 : memref<128x128xf32, #tpu.memory_space<hbm>>) target_semaphore(%run_scoped3A : memref<!tpu.dma_semaphore, #tpu.memory_space<semaphore_mem>>)
      %dma_wait3A_101 = arith.constant 0 : i32
      %dma_wait3A_102 = tpu.memref_slice %arg4[%add3A_89, %dma_wait3A_101] : memref<32768x128xf32, #tpu.memory_space<hbm>> -> memref<128x128xf32, #tpu.memory_space<hbm>>
      %dma_wait3A_103 = arith.constant 0 : i32
      %dma_wait3A_104 = tpu.memref_slice %arg4[%add3A_89, %dma_wait3A_103] : memref<32768x128xf32, #tpu.memory_space<hbm>> -> memref<128x128xf32, #tpu.memory_space<hbm>>
      tpu.wait_dma2 semaphore(%run_scoped3A : memref<!tpu.dma_semaphore, #tpu.memory_space<semaphore_mem>>) src(%arg6 : memref<128x128xf32, #tpu.memory_space<vmem>>) dst(%dma_wait3A_104 : memref<128x128xf32, #tpu.memory_space<hbm>>)
      tpu.yield
    }) : () -> ()
    %dma_wait3A_90 = arith.constant 896 : i32
    %dma_wait3A_91 = tpu.memref_slice %arg5[%dma_wait3A_90] : memref<1024xi32, #tpu.memory_space<vmem>> -> memref<128xi32, #tpu.memory_space<vmem>>
    %dma_wait3A_92 = arith.constant 0 : i32
    %dma_wait3A_93 = arith.constant 0 : i32
    %dma_wait3A_94 = tpu.memref_slice %arg2[%dma_wait3A_92, %dma_wait3A_93] : memref<1000x128xf32, #tpu.memory_space<hbm>> -> memref<1000x128xf32, #tpu.memory_space<hbm>>
    tpu.wait_indirect_dma semaphore(%arg9 : memref<!tpu.dma_semaphore, #tpu.memory_space<semaphore_mem>>) src(%dma_wait3A_94 : memref<1000x128xf32, #tpu.memory_space<hbm>>) dst(%arg7 : memref<128x128xf32, #tpu.memory_space<vmem>>)
    %add3A_95 = arith.constant 896 : i32
    %add3A_96 = arith.addi %mul3A_2, %add3A_95 : i32
    "tpu.region"() ({
      %run_scoped3A = tpu.sem_alloc : memref<!tpu.dma_semaphore, #tpu.memory_space<semaphore_mem>>
      %dma_start3A_97 = arith.constant 0 : i32
      %dma_start3A_98 = tpu.memref_slice %arg4[%add3A_96, %dma_start3A_97] : memref<32768x128xf32, #tpu.memory_space<hbm>> -> memref<128x128xf32, #tpu.memory_space<hbm>>
      %dma_start3A_99 = arith.constant 0 : i32
      %dma_start3A_100 = tpu.memref_slice %arg4[%add3A_96, %dma_start3A_99] : memref<32768x128xf32, #tpu.memory_space<hbm>> -> memref<128x128xf32, #tpu.memory_space<hbm>>
      tpu.enqueue_dma source(%arg7 : memref<128x128xf32, #tpu.memory_space<vmem>>) target(%dma_start3A_100 : memref<128x128xf32, #tpu.memory_space<hbm>>) target_semaphore(%run_scoped3A : memref<!tpu.dma_semaphore, #tpu.memory_space<semaphore_mem>>)
      %dma_wait3A_101 = arith.constant 0 : i32
      %dma_wait3A_102 = tpu.memref_slice %arg4[%add3A_96, %dma_wait3A_101] : memref<32768x128xf32, #tpu.memory_space<hbm>> -> memref<128x128xf32, #tpu.memory_space<hbm>>
      %dma_wait3A_103 = arith.constant 0 : i32
      %dma_wait3A_104 = tpu.memref_slice %arg4[%add3A_96, %dma_wait3A_103] : memref<32768x128xf32, #tpu.memory_space<hbm>> -> memref<128x128xf32, #tpu.memory_space<hbm>>
      tpu.wait_dma2 semaphore(%run_scoped3A : memref<!tpu.dma_semaphore, #tpu.memory_space<semaphore_mem>>) src(%arg7 : memref<128x128xf32, #tpu.memory_space<vmem>>) dst(%dma_wait3A_104 : memref<128x128xf32, #tpu.memory_space<hbm>>)
      tpu.yield
    }) : () -> ()
    return
  }
}

module attributes {stable_mosaic.version = 14 : i64} {
  func.func @_encode_body(%arg0: i32, %arg1: memref<128x64xf32, #tpu.memory_space<vmem>>, %arg2: memref<64x1000xf32, #tpu.memory_space<vmem>>, %arg3: memref<1x1x128xi32, #tpu.memory_space<vmem>>) attributes {dimension_semantics = [#tpu.dimension_semantics<arbitrary>], iteration_bounds = array<i64: 8>, scalar_prefetch = 0 : i64, scratch_operands = 0 : i64, tpu.core_type = #tpu.core_type<tc>, window_params = [{transform_indices = @transform_0, window_bounds = array<i64: 128, 64>}, {pipeline_mode = #tpu.pipeline_mode<synchronous>, transform_indices = @transform_1, window_bounds = array<i64: 64, 1000>}, {transform_indices = @transform_2, window_bounds = array<i64: 1, 1, 128>}]} {
    %get3A = arith.constant 0 : index
    %get3A_0 = arith.constant 0 : index
    %get3A_1 = vector.load %arg1[%get3A, %get3A_0] : memref<128x64xf32, #tpu.memory_space<vmem>>, vector<128x64xf32>
    %get3A_2 = arith.constant 0 : index
    %get3A_3 = arith.constant 0 : index
    %get3A_4 = vector.load %arg2[%get3A_2, %get3A_3] : memref<64x1000xf32, #tpu.memory_space<vmem>>, vector<64x1000xf32>
    %dot_general3A = arith.constant dense<0.000000e+00> : vector<128x1000xf32>
    %dot_general3A_5 = tpu.matmul %get3A_1, %get3A_4, %dot_general3A {dimension_numbers = #tpu.dot_dimension_numbers<[1], [0], [0], [1], [0, 0, 1, 1], [], []>, transpose_lhs_hint = false} : vector<128x64xf32>, vector<64x1000xf32>, vector<128x1000xf32> -> vector<128x1000xf32>
    %mul3A = arith.mulf %get3A_4, %get3A_4 : vector<64x1000xf32>
    %reduce_sum3A = arith.constant dense<0.000000e+00> : vector<1000xf32>
    %reduce_sum3A_6 = vector.multi_reduction <add>, %mul3A, %reduce_sum3A [0] : vector<64x1000xf32> to vector<1000xf32>
    %broadcast_in_dim3A = vector.shape_cast %reduce_sum3A_6 : vector<1000xf32> to vector<1x1000xf32>
    %mul3A_7 = arith.mulf %get3A_1, %get3A_1 : vector<128x64xf32>
    %reduce_sum3A_8 = arith.constant dense<0.000000e+00> : vector<128xf32>
    %reduce_sum3A_9 = vector.multi_reduction <add>, %mul3A_7, %reduce_sum3A_8 [1] : vector<128x64xf32> to vector<128xf32>
    %broadcast_in_dim3A_10 = vector.shape_cast %reduce_sum3A_9 : vector<128xf32> to vector<128x1xf32>
    %mul3A_11 = arith.constant 2.000000e+00 : f32
    %mul3A_12 = vector.broadcast %mul3A_11 : f32 to vector<128x1000xf32>
    %mul3A_13 = arith.mulf %mul3A_12, %dot_general3A_5 : vector<128x1000xf32>
    %sub3A = vector.broadcast %broadcast_in_dim3A_10 : vector<128x1xf32> to vector<128x1000xf32>
    %sub3A_14 = arith.subf %sub3A, %mul3A_13 : vector<128x1000xf32>
    %add3A = vector.broadcast %broadcast_in_dim3A : vector<1x1000xf32> to vector<128x1000xf32>
    %add3A_15 = arith.addf %sub3A_14, %add3A : vector<128x1000xf32>
    %argmin3A = tpu.reduce_index %add3A_15 {axis = 1 : i32, kind = #tpu.reduction_kind<arg_min>} : vector<128x1000xf32> -> vector<128xi32>
    %reshape3A = vector.shape_cast %argmin3A : vector<128xi32> to vector<1x1x128xi32>
    %swap3A = arith.constant 0 : index
    %swap3A_16 = arith.constant 0 : index
    %swap3A_17 = arith.constant 0 : index
    %swap3A_18 = vector.load %arg3[%swap3A, %swap3A_16, %swap3A_17] : memref<1x1x128xi32, #tpu.memory_space<vmem>>, vector<1x1x128xi32>
    tpu.vector_store %arg3[%swap3A, %swap3A_16, %swap3A_17], %reshape3A {strides = array<i32>} : memref<1x1x128xi32, #tpu.memory_space<vmem>>, vector<1x1x128xi32>,
    return
  }
  func.func @transform_0(%arg0: i32) -> (i32, i32) {
    %c0_i32 = arith.constant 0 : i32
    %c0_i32_0 = arith.constant 0 : i32
    return %arg0, %c0_i32 : i32, i32
  }
  func.func @transform_1(%arg0: i32) -> (i32, i32) {
    %c0_i32 = arith.constant 0 : i32
    %c0_i32_0 = arith.constant 0 : i32
    %c0_i32_1 = arith.constant 0 : i32
    return %c0_i32, %c0_i32_0 : i32, i32
  }
  func.func @transform_2(%arg0: i32) -> (i32, i32, i32) {
    %c0_i32 = arith.constant 0 : i32
    %c0_i32_0 = arith.constant 0 : i32
    %c0_i32_1 = arith.constant 0 : i32
    return %arg0, %c0_i32, %c0_i32_0 : i32, i32, i32
  }
}

module attributes {stable_mosaic.version = 14 : i64} {
  func.func @_kth_body(%arg0: i32, %arg1: memref<1024x1024xf32, #tpu.memory_space<vmem>>, %arg2: memref<1024x128xf32, #tpu.memory_space<vmem>>) attributes {dimension_semantics = [#tpu.dimension_semantics<arbitrary>], iteration_bounds = array<i64: 1>, scalar_prefetch = 0 : i64, scratch_operands = 0 : i64, tpu.core_type = #tpu.core_type<tc>, window_params = [{pipeline_mode = #tpu.pipeline_mode<synchronous>, transform_indices = @transform_0, window_bounds = array<i64: 1024, 1024>}, {pipeline_mode = #tpu.pipeline_mode<synchronous>, transform_indices = @transform_1, window_bounds = array<i64: 1024, 128>}]} {
    %get3A = arith.constant 0 : index
    %get3A_0 = arith.constant 0 : index
    %get3A_1 = vector.load %arg1[%get3A, %get3A_0] : memref<1024x1024xf32, #tpu.memory_space<vmem>>, vector<1024x1024xf32>
    %bitcast_convert_type3A = tpu.bitcast %get3A_1 : vector<1024x1024xf32> -> vector<1024x1024xi32>
    %ge3A = arith.constant 0 : i32
    %ge3A_2 = vector.broadcast %ge3A : i32 to vector<1024x1024xi32>
    %ge3A_3 = arith.cmpi sge, %bitcast_convert_type3A, %ge3A_2 : vector<1024x1024xi32>
    %or3A = arith.constant -2147483648 : i32
    %or3A_4 = vector.broadcast %or3A : i32 to vector<1024x1024xi32>
    %or3A_5 = arith.ori %bitcast_convert_type3A, %or3A_4 : vector<1024x1024xi32>
    %not3A = arith.constant dense<-1> : vector<1024x1024xi32>
    %not3A_6 = arith.xori %bitcast_convert_type3A, %not3A : vector<1024x1024xi32>
    %select_n3A = arith.select %ge3A_3, %or3A_5, %not3A_6 : vector<1024x1024xi1>, vector<1024x1024xi32>
    %xor3A = arith.constant -2147483648 : i32
    %xor3A_7 = vector.broadcast %xor3A : i32 to vector<1024x1024xi32>
    %xor3A_8 = arith.xori %select_n3A, %xor3A_7 : vector<1024x1024xi32>
    %broadcast_in_dim3A = arith.constant 0 : i32
    %broadcast_in_dim3A_9 = vector.broadcast %broadcast_in_dim3A : i32 to vector<1024x1xi32>
    %or3A_10 = arith.constant -2147483648 : i32
    %or3A_11 = vector.broadcast %or3A_10 : i32 to vector<1024x1xi32>
    %or3A_12 = arith.ori %broadcast_in_dim3A_9, %or3A_11 : vector<1024x1xi32>
    %xor3A_13 = arith.constant -2147483648 : i32
    %xor3A_14 = vector.broadcast %xor3A_13 : i32 to vector<1024x1xi32>
    %xor3A_15 = arith.xori %or3A_12, %xor3A_14 : vector<1024x1xi32>
    %ge3A_16 = vector.broadcast %xor3A_15 : vector<1024x1xi32> to vector<1024x1024xi32>
    %ge3A_17 = arith.cmpi sge, %xor3A_8, %ge3A_16 : vector<1024x1024xi32>
    %convert_element_type3A = arith.extui %ge3A_17 : vector<1024x1024xi1> to vector<1024x1024xi32>
    %reduce_sum3A = arith.constant dense<0> : vector<1024xi32>
    %reduce_sum3A_18 = vector.multi_reduction <add>, %convert_element_type3A, %reduce_sum3A [1] : vector<1024x1024xi32> to vector<1024xi32>
    %broadcast_in_dim3A_19 = vector.shape_cast %reduce_sum3A_18 : vector<1024xi32> to vector<1024x1xi32>
    %ge3A_20 = arith.constant 64 : i32
    %ge3A_21 = vector.broadcast %ge3A_20 : i32 to vector<1024x1xi32>
    %ge3A_22 = arith.cmpi sge, %broadcast_in_dim3A_19, %ge3A_21 : vector<1024x1xi32>
    %select_n3A_23 = arith.select %ge3A_22, %or3A_12, %broadcast_in_dim3A_9 : vector<1024x1xi1>, vector<1024x1xi32>
    %or3A_24 = arith.constant 1073741824 : i32
    %or3A_25 = vector.broadcast %or3A_24 : i32 to vector<1024x1xi32>
    %or3A_26 = arith.ori %select_n3A_23, %or3A_25 : vector<1024x1xi32>
    %xor3A_27 = arith.constant -2147483648 : i32
    %xor3A_28 = vector.broadcast %xor3A_27 : i32 to vector<1024x1xi32>
    %xor3A_29 = arith.xori %or3A_26, %xor3A_28 : vector<1024x1xi32>
    %ge3A_30 = vector.broadcast %xor3A_29 : vector<1024x1xi32> to vector<1024x1024xi32>
    %ge3A_31 = arith.cmpi sge, %xor3A_8, %ge3A_30 : vector<1024x1024xi32>
    %convert_element_type3A_32 = arith.extui %ge3A_31 : vector<1024x1024xi1> to vector<1024x1024xi32>
    %reduce_sum3A_33 = arith.constant dense<0> : vector<1024xi32>
    %reduce_sum3A_34 = vector.multi_reduction <add>, %convert_element_type3A_32, %reduce_sum3A_33 [1] : vector<1024x1024xi32> to vector<1024xi32>
    %broadcast_in_dim3A_35 = vector.shape_cast %reduce_sum3A_34 : vector<1024xi32> to vector<1024x1xi32>
    %ge3A_36 = arith.constant 64 : i32
    %ge3A_37 = vector.broadcast %ge3A_36 : i32 to vector<1024x1xi32>
    %ge3A_38 = arith.cmpi sge, %broadcast_in_dim3A_35, %ge3A_37 : vector<1024x1xi32>
    %select_n3A_39 = arith.select %ge3A_38, %or3A_26, %select_n3A_23 : vector<1024x1xi1>, vector<1024x1xi32>
    %or3A_40 = arith.constant 536870912 : i32
    %or3A_41 = vector.broadcast %or3A_40 : i32 to vector<1024x1xi32>
    %or3A_42 = arith.ori %select_n3A_39, %or3A_41 : vector<1024x1xi32>
    %xor3A_43 = arith.constant -2147483648 : i32
    %xor3A_44 = vector.broadcast %xor3A_43 : i32 to vector<1024x1xi32>
    %xor3A_45 = arith.xori %or3A_42, %xor3A_44 : vector<1024x1xi32>
    %ge3A_46 = vector.broadcast %xor3A_45 : vector<1024x1xi32> to vector<1024x1024xi32>
    %ge3A_47 = arith.cmpi sge, %xor3A_8, %ge3A_46 : vector<1024x1024xi32>
    %convert_element_type3A_48 = arith.extui %ge3A_47 : vector<1024x1024xi1> to vector<1024x1024xi32>
    %reduce_sum3A_49 = arith.constant dense<0> : vector<1024xi32>
    %reduce_sum3A_50 = vector.multi_reduction <add>, %convert_element_type3A_48, %reduce_sum3A_49 [1] : vector<1024x1024xi32> to vector<1024xi32>
    %broadcast_in_dim3A_51 = vector.shape_cast %reduce_sum3A_50 : vector<1024xi32> to vector<1024x1xi32>
    %ge3A_52 = arith.constant 64 : i32
    %ge3A_53 = vector.broadcast %ge3A_52 : i32 to vector<1024x1xi32>
    %ge3A_54 = arith.cmpi sge, %broadcast_in_dim3A_51, %ge3A_53 : vector<1024x1xi32>
    %select_n3A_55 = arith.select %ge3A_54, %or3A_42, %select_n3A_39 : vector<1024x1xi1>, vector<1024x1xi32>
    %or3A_56 = arith.constant 268435456 : i32
    %or3A_57 = vector.broadcast %or3A_56 : i32 to vector<1024x1xi32>
    %or3A_58 = arith.ori %select_n3A_55, %or3A_57 : vector<1024x1xi32>
    %xor3A_59 = arith.constant -2147483648 : i32
    %xor3A_60 = vector.broadcast %xor3A_59 : i32 to vector<1024x1xi32>
    %xor3A_61 = arith.xori %or3A_58, %xor3A_60 : vector<1024x1xi32>
    %ge3A_62 = vector.broadcast %xor3A_61 : vector<1024x1xi32> to vector<1024x1024xi32>
    %ge3A_63 = arith.cmpi sge, %xor3A_8, %ge3A_62 : vector<1024x1024xi32>
    %convert_element_type3A_64 = arith.extui %ge3A_63 : vector<1024x1024xi1> to vector<1024x1024xi32>
    %reduce_sum3A_65 = arith.constant dense<0> : vector<1024xi32>
    %reduce_sum3A_66 = vector.multi_reduction <add>, %convert_element_type3A_64, %reduce_sum3A_65 [1] : vector<1024x1024xi32> to vector<1024xi32>
    %broadcast_in_dim3A_67 = vector.shape_cast %reduce_sum3A_66 : vector<1024xi32> to vector<1024x1xi32>
    %ge3A_68 = arith.constant 64 : i32
    %ge3A_69 = vector.broadcast %ge3A_68 : i32 to vector<1024x1xi32>
    %ge3A_70 = arith.cmpi sge, %broadcast_in_dim3A_67, %ge3A_69 : vector<1024x1xi32>
    %select_n3A_71 = arith.select %ge3A_70, %or3A_58, %select_n3A_55 : vector<1024x1xi1>, vector<1024x1xi32>
    %or3A_72 = arith.constant 134217728 : i32
    %or3A_73 = vector.broadcast %or3A_72 : i32 to vector<1024x1xi32>
    %or3A_74 = arith.ori %select_n3A_71, %or3A_73 : vector<1024x1xi32>
    %xor3A_75 = arith.constant -2147483648 : i32
    %xor3A_76 = vector.broadcast %xor3A_75 : i32 to vector<1024x1xi32>
    %xor3A_77 = arith.xori %or3A_74, %xor3A_76 : vector<1024x1xi32>
    %ge3A_78 = vector.broadcast %xor3A_77 : vector<1024x1xi32> to vector<1024x1024xi32>
    %ge3A_79 = arith.cmpi sge, %xor3A_8, %ge3A_78 : vector<1024x1024xi32>
    %convert_element_type3A_80 = arith.extui %ge3A_79 : vector<1024x1024xi1> to vector<1024x1024xi32>
    %reduce_sum3A_81 = arith.constant dense<0> : vector<1024xi32>
    %reduce_sum3A_82 = vector.multi_reduction <add>, %convert_element_type3A_80, %reduce_sum3A_81 [1] : vector<1024x1024xi32> to vector<1024xi32>
    %broadcast_in_dim3A_83 = vector.shape_cast %reduce_sum3A_82 : vector<1024xi32> to vector<1024x1xi32>
    %ge3A_84 = arith.constant 64 : i32
    %ge3A_85 = vector.broadcast %ge3A_84 : i32 to vector<1024x1xi32>
    %ge3A_86 = arith.cmpi sge, %broadcast_in_dim3A_83, %ge3A_85 : vector<1024x1xi32>
    %select_n3A_87 = arith.select %ge3A_86, %or3A_74, %select_n3A_71 : vector<1024x1xi1>, vector<1024x1xi32>
    %or3A_88 = arith.constant 67108864 : i32
    %or3A_89 = vector.broadcast %or3A_88 : i32 to vector<1024x1xi32>
    %or3A_90 = arith.ori %select_n3A_87, %or3A_89 : vector<1024x1xi32>
    %xor3A_91 = arith.constant -2147483648 : i32
    %xor3A_92 = vector.broadcast %xor3A_91 : i32 to vector<1024x1xi32>
    %xor3A_93 = arith.xori %or3A_90, %xor3A_92 : vector<1024x1xi32>
    %ge3A_94 = vector.broadcast %xor3A_93 : vector<1024x1xi32> to vector<1024x1024xi32>
    %ge3A_95 = arith.cmpi sge, %xor3A_8, %ge3A_94 : vector<1024x1024xi32>
    %convert_element_type3A_96 = arith.extui %ge3A_95 : vector<1024x1024xi1> to vector<1024x1024xi32>
    %reduce_sum3A_97 = arith.constant dense<0> : vector<1024xi32>
    %reduce_sum3A_98 = vector.multi_reduction <add>, %convert_element_type3A_96, %reduce_sum3A_97 [1] : vector<1024x1024xi32> to vector<1024xi32>
    %broadcast_in_dim3A_99 = vector.shape_cast %reduce_sum3A_98 : vector<1024xi32> to vector<1024x1xi32>
    %ge3A_100 = arith.constant 64 : i32
    %ge3A_101 = vector.broadcast %ge3A_100 : i32 to vector<1024x1xi32>
    %ge3A_102 = arith.cmpi sge, %broadcast_in_dim3A_99, %ge3A_101 : vector<1024x1xi32>
    %select_n3A_103 = arith.select %ge3A_102, %or3A_90, %select_n3A_87 : vector<1024x1xi1>, vector<1024x1xi32>
    %or3A_104 = arith.constant 33554432 : i32
    %or3A_105 = vector.broadcast %or3A_104 : i32 to vector<1024x1xi32>
    %or3A_106 = arith.ori %select_n3A_103, %or3A_105 : vector<1024x1xi32>
    %xor3A_107 = arith.constant -2147483648 : i32
    %xor3A_108 = vector.broadcast %xor3A_107 : i32 to vector<1024x1xi32>
    %xor3A_109 = arith.xori %or3A_106, %xor3A_108 : vector<1024x1xi32>
    %ge3A_110 = vector.broadcast %xor3A_109 : vector<1024x1xi32> to vector<1024x1024xi32>
    %ge3A_111 = arith.cmpi sge, %xor3A_8, %ge3A_110 : vector<1024x1024xi32>
    %convert_element_type3A_112 = arith.extui %ge3A_111 : vector<1024x1024xi1> to vector<1024x1024xi32>
    %reduce_sum3A_113 = arith.constant dense<0> : vector<1024xi32>
    %reduce_sum3A_114 = vector.multi_reduction <add>, %convert_element_type3A_112, %reduce_sum3A_113 [1] : vector<1024x1024xi32> to vector<1024xi32>
    %broadcast_in_dim3A_115 = vector.shape_cast %reduce_sum3A_114 : vector<1024xi32> to vector<1024x1xi32>
    %ge3A_116 = arith.constant 64 : i32
    %ge3A_117 = vector.broadcast %ge3A_116 : i32 to vector<1024x1xi32>
    %ge3A_118 = arith.cmpi sge, %broadcast_in_dim3A_115, %ge3A_117 : vector<1024x1xi32>
    %select_n3A_119 = arith.select %ge3A_118, %or3A_106, %select_n3A_103 : vector<1024x1xi1>, vector<1024x1xi32>
    %or3A_120 = arith.constant 16777216 : i32
    %or3A_121 = vector.broadcast %or3A_120 : i32 to vector<1024x1xi32>
    %or3A_122 = arith.ori %select_n3A_119, %or3A_121 : vector<1024x1xi32>
    %xor3A_123 = arith.constant -2147483648 : i32
    %xor3A_124 = vector.broadcast %xor3A_123 : i32 to vector<1024x1xi32>
    %xor3A_125 = arith.xori %or3A_122, %xor3A_124 : vector<1024x1xi32>
    %ge3A_126 = vector.broadcast %xor3A_125 : vector<1024x1xi32> to vector<1024x1024xi32>
    %ge3A_127 = arith.cmpi sge, %xor3A_8, %ge3A_126 : vector<1024x1024xi32>
    %convert_element_type3A_128 = arith.extui %ge3A_127 : vector<1024x1024xi1> to vector<1024x1024xi32>
    %reduce_sum3A_129 = arith.constant dense<0> : vector<1024xi32>
    %reduce_sum3A_130 = vector.multi_reduction <add>, %convert_element_type3A_128, %reduce_sum3A_129 [1] : vector<1024x1024xi32> to vector<1024xi32>
    %broadcast_in_dim3A_131 = vector.shape_cast %reduce_sum3A_130 : vector<1024xi32> to vector<1024x1xi32>
    %ge3A_132 = arith.constant 64 : i32
    %ge3A_133 = vector.broadcast %ge3A_132 : i32 to vector<1024x1xi32>
    %ge3A_134 = arith.cmpi sge, %broadcast_in_dim3A_131, %ge3A_133 : vector<1024x1xi32>
    %select_n3A_135 = arith.select %ge3A_134, %or3A_122, %select_n3A_119 : vector<1024x1xi1>, vector<1024x1xi32>
    %or3A_136 = arith.constant 8388608 : i32
    %or3A_137 = vector.broadcast %or3A_136 : i32 to vector<1024x1xi32>
    %or3A_138 = arith.ori %select_n3A_135, %or3A_137 : vector<1024x1xi32>
    %xor3A_139 = arith.constant -2147483648 : i32
    %xor3A_140 = vector.broadcast %xor3A_139 : i32 to vector<1024x1xi32>
    %xor3A_141 = arith.xori %or3A_138, %xor3A_140 : vector<1024x1xi32>
    %ge3A_142 = vector.broadcast %xor3A_141 : vector<1024x1xi32> to vector<1024x1024xi32>
    %ge3A_143 = arith.cmpi sge, %xor3A_8, %ge3A_142 : vector<1024x1024xi32>
    %convert_element_type3A_144 = arith.extui %ge3A_143 : vector<1024x1024xi1> to vector<1024x1024xi32>
    %reduce_sum3A_145 = arith.constant dense<0> : vector<1024xi32>
    %reduce_sum3A_146 = vector.multi_reduction <add>, %convert_element_type3A_144, %reduce_sum3A_145 [1] : vector<1024x1024xi32> to vector<1024xi32>
    %broadcast_in_dim3A_147 = vector.shape_cast %reduce_sum3A_146 : vector<1024xi32> to vector<1024x1xi32>
    %ge3A_148 = arith.constant 64 : i32
    %ge3A_149 = vector.broadcast %ge3A_148 : i32 to vector<1024x1xi32>
    %ge3A_150 = arith.cmpi sge, %broadcast_in_dim3A_147, %ge3A_149 : vector<1024x1xi32>
    %select_n3A_151 = arith.select %ge3A_150, %or3A_138, %select_n3A_135 : vector<1024x1xi1>, vector<1024x1xi32>
    %or3A_152 = arith.constant 4194304 : i32
    %or3A_153 = vector.broadcast %or3A_152 : i32 to vector<1024x1xi32>
    %or3A_154 = arith.ori %select_n3A_151, %or3A_153 : vector<1024x1xi32>
    %xor3A_155 = arith.constant -2147483648 : i32
    %xor3A_156 = vector.broadcast %xor3A_155 : i32 to vector<1024x1xi32>
    %xor3A_157 = arith.xori %or3A_154, %xor3A_156 : vector<1024x1xi32>
    %ge3A_158 = vector.broadcast %xor3A_157 : vector<1024x1xi32> to vector<1024x1024xi32>
    %ge3A_159 = arith.cmpi sge, %xor3A_8, %ge3A_158 : vector<1024x1024xi32>
    %convert_element_type3A_160 = arith.extui %ge3A_159 : vector<1024x1024xi1> to vector<1024x1024xi32>
    %reduce_sum3A_161 = arith.constant dense<0> : vector<1024xi32>
    %reduce_sum3A_162 = vector.multi_reduction <add>, %convert_element_type3A_160, %reduce_sum3A_161 [1] : vector<1024x1024xi32> to vector<1024xi32>
    %broadcast_in_dim3A_163 = vector.shape_cast %reduce_sum3A_162 : vector<1024xi32> to vector<1024x1xi32>
    %ge3A_164 = arith.constant 64 : i32
    %ge3A_165 = vector.broadcast %ge3A_164 : i32 to vector<1024x1xi32>
    %ge3A_166 = arith.cmpi sge, %broadcast_in_dim3A_163, %ge3A_165 : vector<1024x1xi32>
    %select_n3A_167 = arith.select %ge3A_166, %or3A_154, %select_n3A_151 : vector<1024x1xi1>, vector<1024x1xi32>
    %or3A_168 = arith.constant 2097152 : i32
    %or3A_169 = vector.broadcast %or3A_168 : i32 to vector<1024x1xi32>
    %or3A_170 = arith.ori %select_n3A_167, %or3A_169 : vector<1024x1xi32>
    %xor3A_171 = arith.constant -2147483648 : i32
    %xor3A_172 = vector.broadcast %xor3A_171 : i32 to vector<1024x1xi32>
    %xor3A_173 = arith.xori %or3A_170, %xor3A_172 : vector<1024x1xi32>
    %ge3A_174 = vector.broadcast %xor3A_173 : vector<1024x1xi32> to vector<1024x1024xi32>
    %ge3A_175 = arith.cmpi sge, %xor3A_8, %ge3A_174 : vector<1024x1024xi32>
    %convert_element_type3A_176 = arith.extui %ge3A_175 : vector<1024x1024xi1> to vector<1024x1024xi32>
    %reduce_sum3A_177 = arith.constant dense<0> : vector<1024xi32>
    %reduce_sum3A_178 = vector.multi_reduction <add>, %convert_element_type3A_176, %reduce_sum3A_177 [1] : vector<1024x1024xi32> to vector<1024xi32>
    %broadcast_in_dim3A_179 = vector.shape_cast %reduce_sum3A_178 : vector<1024xi32> to vector<1024x1xi32>
    %ge3A_180 = arith.constant 64 : i32
    %ge3A_181 = vector.broadcast %ge3A_180 : i32 to vector<1024x1xi32>
    %ge3A_182 = arith.cmpi sge, %broadcast_in_dim3A_179, %ge3A_181 : vector<1024x1xi32>
    %select_n3A_183 = arith.select %ge3A_182, %or3A_170, %select_n3A_167 : vector<1024x1xi1>, vector<1024x1xi32>
    %or3A_184 = arith.constant 1048576 : i32
    %or3A_185 = vector.broadcast %or3A_184 : i32 to vector<1024x1xi32>
    %or3A_186 = arith.ori %select_n3A_183, %or3A_185 : vector<1024x1xi32>
    %xor3A_187 = arith.constant -2147483648 : i32
    %xor3A_188 = vector.broadcast %xor3A_187 : i32 to vector<1024x1xi32>
    %xor3A_189 = arith.xori %or3A_186, %xor3A_188 : vector<1024x1xi32>
    %ge3A_190 = vector.broadcast %xor3A_189 : vector<1024x1xi32> to vector<1024x1024xi32>
    %ge3A_191 = arith.cmpi sge, %xor3A_8, %ge3A_190 : vector<1024x1024xi32>
    %convert_element_type3A_192 = arith.extui %ge3A_191 : vector<1024x1024xi1> to vector<1024x1024xi32>
    %reduce_sum3A_193 = arith.constant dense<0> : vector<1024xi32>
    %reduce_sum3A_194 = vector.multi_reduction <add>, %convert_element_type3A_192, %reduce_sum3A_193 [1] : vector<1024x1024xi32> to vector<1024xi32>
    %broadcast_in_dim3A_195 = vector.shape_cast %reduce_sum3A_194 : vector<1024xi32> to vector<1024x1xi32>
    %ge3A_196 = arith.constant 64 : i32
    %ge3A_197 = vector.broadcast %ge3A_196 : i32 to vector<1024x1xi32>
    %ge3A_198 = arith.cmpi sge, %broadcast_in_dim3A_195, %ge3A_197 : vector<1024x1xi32>
    %select_n3A_199 = arith.select %ge3A_198, %or3A_186, %select_n3A_183 : vector<1024x1xi1>, vector<1024x1xi32>
    %or3A_200 = arith.constant 524288 : i32
    %or3A_201 = vector.broadcast %or3A_200 : i32 to vector<1024x1xi32>
    %or3A_202 = arith.ori %select_n3A_199, %or3A_201 : vector<1024x1xi32>
    %xor3A_203 = arith.constant -2147483648 : i32
    %xor3A_204 = vector.broadcast %xor3A_203 : i32 to vector<1024x1xi32>
    %xor3A_205 = arith.xori %or3A_202, %xor3A_204 : vector<1024x1xi32>
    %ge3A_206 = vector.broadcast %xor3A_205 : vector<1024x1xi32> to vector<1024x1024xi32>
    %ge3A_207 = arith.cmpi sge, %xor3A_8, %ge3A_206 : vector<1024x1024xi32>
    %convert_element_type3A_208 = arith.extui %ge3A_207 : vector<1024x1024xi1> to vector<1024x1024xi32>
    %reduce_sum3A_209 = arith.constant dense<0> : vector<1024xi32>
    %reduce_sum3A_210 = vector.multi_reduction <add>, %convert_element_type3A_208, %reduce_sum3A_209 [1] : vector<1024x1024xi32> to vector<1024xi32>
    %broadcast_in_dim3A_211 = vector.shape_cast %reduce_sum3A_210 : vector<1024xi32> to vector<1024x1xi32>
    %ge3A_212 = arith.constant 64 : i32
    %ge3A_213 = vector.broadcast %ge3A_212 : i32 to vector<1024x1xi32>
    %ge3A_214 = arith.cmpi sge, %broadcast_in_dim3A_211, %ge3A_213 : vector<1024x1xi32>
    %select_n3A_215 = arith.select %ge3A_214, %or3A_202, %select_n3A_199 : vector<1024x1xi1>, vector<1024x1xi32>
    %or3A_216 = arith.constant 262144 : i32
    %or3A_217 = vector.broadcast %or3A_216 : i32 to vector<1024x1xi32>
    %or3A_218 = arith.ori %select_n3A_215, %or3A_217 : vector<1024x1xi32>
    %xor3A_219 = arith.constant -2147483648 : i32
    %xor3A_220 = vector.broadcast %xor3A_219 : i32 to vector<1024x1xi32>
    %xor3A_221 = arith.xori %or3A_218, %xor3A_220 : vector<1024x1xi32>
    %ge3A_222 = vector.broadcast %xor3A_221 : vector<1024x1xi32> to vector<1024x1024xi32>
    %ge3A_223 = arith.cmpi sge, %xor3A_8, %ge3A_222 : vector<1024x1024xi32>
    %convert_element_type3A_224 = arith.extui %ge3A_223 : vector<1024x1024xi1> to vector<1024x1024xi32>
    %reduce_sum3A_225 = arith.constant dense<0> : vector<1024xi32>
    %reduce_sum3A_226 = vector.multi_reduction <add>, %convert_element_type3A_224, %reduce_sum3A_225 [1] : vector<1024x1024xi32> to vector<1024xi32>
    %broadcast_in_dim3A_227 = vector.shape_cast %reduce_sum3A_226 : vector<1024xi32> to vector<1024x1xi32>
    %ge3A_228 = arith.constant 64 : i32
    %ge3A_229 = vector.broadcast %ge3A_228 : i32 to vector<1024x1xi32>
    %ge3A_230 = arith.cmpi sge, %broadcast_in_dim3A_227, %ge3A_229 : vector<1024x1xi32>
    %select_n3A_231 = arith.select %ge3A_230, %or3A_218, %select_n3A_215 : vector<1024x1xi1>, vector<1024x1xi32>
    %or3A_232 = arith.constant 131072 : i32
    %or3A_233 = vector.broadcast %or3A_232 : i32 to vector<1024x1xi32>
    %or3A_234 = arith.ori %select_n3A_231, %or3A_233 : vector<1024x1xi32>
    %xor3A_235 = arith.constant -2147483648 : i32
    %xor3A_236 = vector.broadcast %xor3A_235 : i32 to vector<1024x1xi32>
    %xor3A_237 = arith.xori %or3A_234, %xor3A_236 : vector<1024x1xi32>
    %ge3A_238 = vector.broadcast %xor3A_237 : vector<1024x1xi32> to vector<1024x1024xi32>
    %ge3A_239 = arith.cmpi sge, %xor3A_8, %ge3A_238 : vector<1024x1024xi32>
    %convert_element_type3A_240 = arith.extui %ge3A_239 : vector<1024x1024xi1> to vector<1024x1024xi32>
    %reduce_sum3A_241 = arith.constant dense<0> : vector<1024xi32>
    %reduce_sum3A_242 = vector.multi_reduction <add>, %convert_element_type3A_240, %reduce_sum3A_241 [1] : vector<1024x1024xi32> to vector<1024xi32>
    %broadcast_in_dim3A_243 = vector.shape_cast %reduce_sum3A_242 : vector<1024xi32> to vector<1024x1xi32>
    %ge3A_244 = arith.constant 64 : i32
    %ge3A_245 = vector.broadcast %ge3A_244 : i32 to vector<1024x1xi32>
    %ge3A_246 = arith.cmpi sge, %broadcast_in_dim3A_243, %ge3A_245 : vector<1024x1xi32>
    %select_n3A_247 = arith.select %ge3A_246, %or3A_234, %select_n3A_231 : vector<1024x1xi1>, vector<1024x1xi32>
    %or3A_248 = arith.constant 65536 : i32
    %or3A_249 = vector.broadcast %or3A_248 : i32 to vector<1024x1xi32>
    %or3A_250 = arith.ori %select_n3A_247, %or3A_249 : vector<1024x1xi32>
    %xor3A_251 = arith.constant -2147483648 : i32
    %xor3A_252 = vector.broadcast %xor3A_251 : i32 to vector<1024x1xi32>
    %xor3A_253 = arith.xori %or3A_250, %xor3A_252 : vector<1024x1xi32>
    %ge3A_254 = vector.broadcast %xor3A_253 : vector<1024x1xi32> to vector<1024x1024xi32>
    %ge3A_255 = arith.cmpi sge, %xor3A_8, %ge3A_254 : vector<1024x1024xi32>
    %convert_element_type3A_256 = arith.extui %ge3A_255 : vector<1024x1024xi1> to vector<1024x1024xi32>
    %reduce_sum3A_257 = arith.constant dense<0> : vector<1024xi32>
    %reduce_sum3A_258 = vector.multi_reduction <add>, %convert_element_type3A_256, %reduce_sum3A_257 [1] : vector<1024x1024xi32> to vector<1024xi32>
    %broadcast_in_dim3A_259 = vector.shape_cast %reduce_sum3A_258 : vector<1024xi32> to vector<1024x1xi32>
    %ge3A_260 = arith.constant 64 : i32
    %ge3A_261 = vector.broadcast %ge3A_260 : i32 to vector<1024x1xi32>
    %ge3A_262 = arith.cmpi sge, %broadcast_in_dim3A_259, %ge3A_261 : vector<1024x1xi32>
    %select_n3A_263 = arith.select %ge3A_262, %or3A_250, %select_n3A_247 : vector<1024x1xi1>, vector<1024x1xi32>
    %or3A_264 = arith.constant 32768 : i32
    %or3A_265 = vector.broadcast %or3A_264 : i32 to vector<1024x1xi32>
    %or3A_266 = arith.ori %select_n3A_263, %or3A_265 : vector<1024x1xi32>
    %xor3A_267 = arith.constant -2147483648 : i32
    %xor3A_268 = vector.broadcast %xor3A_267 : i32 to vector<1024x1xi32>
    %xor3A_269 = arith.xori %or3A_266, %xor3A_268 : vector<1024x1xi32>
    %ge3A_270 = vector.broadcast %xor3A_269 : vector<1024x1xi32> to vector<1024x1024xi32>
    %ge3A_271 = arith.cmpi sge, %xor3A_8, %ge3A_270 : vector<1024x1024xi32>
    %convert_element_type3A_272 = arith.extui %ge3A_271 : vector<1024x1024xi1> to vector<1024x1024xi32>
    %reduce_sum3A_273 = arith.constant dense<0> : vector<1024xi32>
    %reduce_sum3A_274 = vector.multi_reduction <add>, %convert_element_type3A_272, %reduce_sum3A_273 [1] : vector<1024x1024xi32> to vector<1024xi32>
    %broadcast_in_dim3A_275 = vector.shape_cast %reduce_sum3A_274 : vector<1024xi32> to vector<1024x1xi32>
    %ge3A_276 = arith.constant 64 : i32
    %ge3A_277 = vector.broadcast %ge3A_276 : i32 to vector<1024x1xi32>
    %ge3A_278 = arith.cmpi sge, %broadcast_in_dim3A_275, %ge3A_277 : vector<1024x1xi32>
    %select_n3A_279 = arith.select %ge3A_278, %or3A_266, %select_n3A_263 : vector<1024x1xi1>, vector<1024x1xi32>
    %or3A_280 = arith.constant 16384 : i32
    %or3A_281 = vector.broadcast %or3A_280 : i32 to vector<1024x1xi32>
    %or3A_282 = arith.ori %select_n3A_279, %or3A_281 : vector<1024x1xi32>
    %xor3A_283 = arith.constant -2147483648 : i32
    %xor3A_284 = vector.broadcast %xor3A_283 : i32 to vector<1024x1xi32>
    %xor3A_285 = arith.xori %or3A_282, %xor3A_284 : vector<1024x1xi32>
    %ge3A_286 = vector.broadcast %xor3A_285 : vector<1024x1xi32> to vector<1024x1024xi32>
    %ge3A_287 = arith.cmpi sge, %xor3A_8, %ge3A_286 : vector<1024x1024xi32>
    %convert_element_type3A_288 = arith.extui %ge3A_287 : vector<1024x1024xi1> to vector<1024x1024xi32>
    %reduce_sum3A_289 = arith.constant dense<0> : vector<1024xi32>
    %reduce_sum3A_290 = vector.multi_reduction <add>, %convert_element_type3A_288, %reduce_sum3A_289 [1] : vector<1024x1024xi32> to vector<1024xi32>
    %broadcast_in_dim3A_291 = vector.shape_cast %reduce_sum3A_290 : vector<1024xi32> to vector<1024x1xi32>
    %ge3A_292 = arith.constant 64 : i32
    %ge3A_293 = vector.broadcast %ge3A_292 : i32 to vector<1024x1xi32>
    %ge3A_294 = arith.cmpi sge, %broadcast_in_dim3A_291, %ge3A_293 : vector<1024x1xi32>
    %select_n3A_295 = arith.select %ge3A_294, %or3A_282, %select_n3A_279 : vector<1024x1xi1>, vector<1024x1xi32>
    %or3A_296 = arith.constant 8192 : i32
    %or3A_297 = vector.broadcast %or3A_296 : i32 to vector<1024x1xi32>
    %or3A_298 = arith.ori %select_n3A_295, %or3A_297 : vector<1024x1xi32>
    %xor3A_299 = arith.constant -2147483648 : i32
    %xor3A_300 = vector.broadcast %xor3A_299 : i32 to vector<1024x1xi32>
    %xor3A_301 = arith.xori %or3A_298, %xor3A_300 : vector<1024x1xi32>
    %ge3A_302 = vector.broadcast %xor3A_301 : vector<1024x1xi32> to vector<1024x1024xi32>
    %ge3A_303 = arith.cmpi sge, %xor3A_8, %ge3A_302 : vector<1024x1024xi32>
    %convert_element_type3A_304 = arith.extui %ge3A_303 : vector<1024x1024xi1> to vector<1024x1024xi32>
    %reduce_sum3A_305 = arith.constant dense<0> : vector<1024xi32>
    %reduce_sum3A_306 = vector.multi_reduction <add>, %convert_element_type3A_304, %reduce_sum3A_305 [1] : vector<1024x1024xi32> to vector<1024xi32>
    %broadcast_in_dim3A_307 = vector.shape_cast %reduce_sum3A_306 : vector<1024xi32> to vector<1024x1xi32>
    %ge3A_308 = arith.constant 64 : i32
    %ge3A_309 = vector.broadcast %ge3A_308 : i32 to vector<1024x1xi32>
    %ge3A_310 = arith.cmpi sge, %broadcast_in_dim3A_307, %ge3A_309 : vector<1024x1xi32>
    %select_n3A_311 = arith.select %ge3A_310, %or3A_298, %select_n3A_295 : vector<1024x1xi1>, vector<1024x1xi32>
    %or3A_312 = arith.constant 4096 : i32
    %or3A_313 = vector.broadcast %or3A_312 : i32 to vector<1024x1xi32>
    %or3A_314 = arith.ori %select_n3A_311, %or3A_313 : vector<1024x1xi32>
    %xor3A_315 = arith.constant -2147483648 : i32
    %xor3A_316 = vector.broadcast %xor3A_315 : i32 to vector<1024x1xi32>
    %xor3A_317 = arith.xori %or3A_314, %xor3A_316 : vector<1024x1xi32>
    %ge3A_318 = vector.broadcast %xor3A_317 : vector<1024x1xi32> to vector<1024x1024xi32>
    %ge3A_319 = arith.cmpi sge, %xor3A_8, %ge3A_318 : vector<1024x1024xi32>
    %convert_element_type3A_320 = arith.extui %ge3A_319 : vector<1024x1024xi1> to vector<1024x1024xi32>
    %reduce_sum3A_321 = arith.constant dense<0> : vector<1024xi32>
    %reduce_sum3A_322 = vector.multi_reduction <add>, %convert_element_type3A_320, %reduce_sum3A_321 [1] : vector<1024x1024xi32> to vector<1024xi32>
    %broadcast_in_dim3A_323 = vector.shape_cast %reduce_sum3A_322 : vector<1024xi32> to vector<1024x1xi32>
    %ge3A_324 = arith.constant 64 : i32
    %ge3A_325 = vector.broadcast %ge3A_324 : i32 to vector<1024x1xi32>
    %ge3A_326 = arith.cmpi sge, %broadcast_in_dim3A_323, %ge3A_325 : vector<1024x1xi32>
    %select_n3A_327 = arith.select %ge3A_326, %or3A_314, %select_n3A_311 : vector<1024x1xi1>, vector<1024x1xi32>
    %or3A_328 = arith.constant 2048 : i32
    %or3A_329 = vector.broadcast %or3A_328 : i32 to vector<1024x1xi32>
    %or3A_330 = arith.ori %select_n3A_327, %or3A_329 : vector<1024x1xi32>
    %xor3A_331 = arith.constant -2147483648 : i32
    %xor3A_332 = vector.broadcast %xor3A_331 : i32 to vector<1024x1xi32>
    %xor3A_333 = arith.xori %or3A_330, %xor3A_332 : vector<1024x1xi32>
    %ge3A_334 = vector.broadcast %xor3A_333 : vector<1024x1xi32> to vector<1024x1024xi32>
    %ge3A_335 = arith.cmpi sge, %xor3A_8, %ge3A_334 : vector<1024x1024xi32>
    %convert_element_type3A_336 = arith.extui %ge3A_335 : vector<1024x1024xi1> to vector<1024x1024xi32>
    %reduce_sum3A_337 = arith.constant dense<0> : vector<1024xi32>
    %reduce_sum3A_338 = vector.multi_reduction <add>, %convert_element_type3A_336, %reduce_sum3A_337 [1] : vector<1024x1024xi32> to vector<1024xi32>
    %broadcast_in_dim3A_339 = vector.shape_cast %reduce_sum3A_338 : vector<1024xi32> to vector<1024x1xi32>
    %ge3A_340 = arith.constant 64 : i32
    %ge3A_341 = vector.broadcast %ge3A_340 : i32 to vector<1024x1xi32>
    %ge3A_342 = arith.cmpi sge, %broadcast_in_dim3A_339, %ge3A_341 : vector<1024x1xi32>
    %select_n3A_343 = arith.select %ge3A_342, %or3A_330, %select_n3A_327 : vector<1024x1xi1>, vector<1024x1xi32>
    %or3A_344 = arith.constant 1024 : i32
    %or3A_345 = vector.broadcast %or3A_344 : i32 to vector<1024x1xi32>
    %or3A_346 = arith.ori %select_n3A_343, %or3A_345 : vector<1024x1xi32>
    %xor3A_347 = arith.constant -2147483648 : i32
    %xor3A_348 = vector.broadcast %xor3A_347 : i32 to vector<1024x1xi32>
    %xor3A_349 = arith.xori %or3A_346, %xor3A_348 : vector<1024x1xi32>
    %ge3A_350 = vector.broadcast %xor3A_349 : vector<1024x1xi32> to vector<1024x1024xi32>
    %ge3A_351 = arith.cmpi sge, %xor3A_8, %ge3A_350 : vector<1024x1024xi32>
    %convert_element_type3A_352 = arith.extui %ge3A_351 : vector<1024x1024xi1> to vector<1024x1024xi32>
    %reduce_sum3A_353 = arith.constant dense<0> : vector<1024xi32>
    %reduce_sum3A_354 = vector.multi_reduction <add>, %convert_element_type3A_352, %reduce_sum3A_353 [1] : vector<1024x1024xi32> to vector<1024xi32>
    %broadcast_in_dim3A_355 = vector.shape_cast %reduce_sum3A_354 : vector<1024xi32> to vector<1024x1xi32>
    %ge3A_356 = arith.constant 64 : i32
    %ge3A_357 = vector.broadcast %ge3A_356 : i32 to vector<1024x1xi32>
    %ge3A_358 = arith.cmpi sge, %broadcast_in_dim3A_355, %ge3A_357 : vector<1024x1xi32>
    %select_n3A_359 = arith.select %ge3A_358, %or3A_346, %select_n3A_343 : vector<1024x1xi1>, vector<1024x1xi32>
    %or3A_360 = arith.constant 512 : i32
    %or3A_361 = vector.broadcast %or3A_360 : i32 to vector<1024x1xi32>
    %or3A_362 = arith.ori %select_n3A_359, %or3A_361 : vector<1024x1xi32>
    %xor3A_363 = arith.constant -2147483648 : i32
    %xor3A_364 = vector.broadcast %xor3A_363 : i32 to vector<1024x1xi32>
    %xor3A_365 = arith.xori %or3A_362, %xor3A_364 : vector<1024x1xi32>
    %ge3A_366 = vector.broadcast %xor3A_365 : vector<1024x1xi32> to vector<1024x1024xi32>
    %ge3A_367 = arith.cmpi sge, %xor3A_8, %ge3A_366 : vector<1024x1024xi32>
    %convert_element_type3A_368 = arith.extui %ge3A_367 : vector<1024x1024xi1> to vector<1024x1024xi32>
    %reduce_sum3A_369 = arith.constant dense<0> : vector<1024xi32>
    %reduce_sum3A_370 = vector.multi_reduction <add>, %convert_element_type3A_368, %reduce_sum3A_369 [1] : vector<1024x1024xi32> to vector<1024xi32>
    %broadcast_in_dim3A_371 = vector.shape_cast %reduce_sum3A_370 : vector<1024xi32> to vector<1024x1xi32>
    %ge3A_372 = arith.constant 64 : i32
    %ge3A_373 = vector.broadcast %ge3A_372 : i32 to vector<1024x1xi32>
    %ge3A_374 = arith.cmpi sge, %broadcast_in_dim3A_371, %ge3A_373 : vector<1024x1xi32>
    %select_n3A_375 = arith.select %ge3A_374, %or3A_362, %select_n3A_359 : vector<1024x1xi1>, vector<1024x1xi32>
    %or3A_376 = arith.constant 256 : i32
    %or3A_377 = vector.broadcast %or3A_376 : i32 to vector<1024x1xi32>
    %or3A_378 = arith.ori %select_n3A_375, %or3A_377 : vector<1024x1xi32>
    %xor3A_379 = arith.constant -2147483648 : i32
    %xor3A_380 = vector.broadcast %xor3A_379 : i32 to vector<1024x1xi32>
    %xor3A_381 = arith.xori %or3A_378, %xor3A_380 : vector<1024x1xi32>
    %ge3A_382 = vector.broadcast %xor3A_381 : vector<1024x1xi32> to vector<1024x1024xi32>
    %ge3A_383 = arith.cmpi sge, %xor3A_8, %ge3A_382 : vector<1024x1024xi32>
    %convert_element_type3A_384 = arith.extui %ge3A_383 : vector<1024x1024xi1> to vector<1024x1024xi32>
    %reduce_sum3A_385 = arith.constant dense<0> : vector<1024xi32>
    %reduce_sum3A_386 = vector.multi_reduction <add>, %convert_element_type3A_384, %reduce_sum3A_385 [1] : vector<1024x1024xi32> to vector<1024xi32>
    %broadcast_in_dim3A_387 = vector.shape_cast %reduce_sum3A_386 : vector<1024xi32> to vector<1024x1xi32>
    %ge3A_388 = arith.constant 64 : i32
    %ge3A_389 = vector.broadcast %ge3A_388 : i32 to vector<1024x1xi32>
    %ge3A_390 = arith.cmpi sge, %broadcast_in_dim3A_387, %ge3A_389 : vector<1024x1xi32>
    %select_n3A_391 = arith.select %ge3A_390, %or3A_378, %select_n3A_375 : vector<1024x1xi1>, vector<1024x1xi32>
    %or3A_392 = arith.constant 128 : i32
    %or3A_393 = vector.broadcast %or3A_392 : i32 to vector<1024x1xi32>
    %or3A_394 = arith.ori %select_n3A_391, %or3A_393 : vector<1024x1xi32>
    %xor3A_395 = arith.constant -2147483648 : i32
    %xor3A_396 = vector.broadcast %xor3A_395 : i32 to vector<1024x1xi32>
    %xor3A_397 = arith.xori %or3A_394, %xor3A_396 : vector<1024x1xi32>
    %ge3A_398 = vector.broadcast %xor3A_397 : vector<1024x1xi32> to vector<1024x1024xi32>
    %ge3A_399 = arith.cmpi sge, %xor3A_8, %ge3A_398 : vector<1024x1024xi32>
    %convert_element_type3A_400 = arith.extui %ge3A_399 : vector<1024x1024xi1> to vector<1024x1024xi32>
    %reduce_sum3A_401 = arith.constant dense<0> : vector<1024xi32>
    %reduce_sum3A_402 = vector.multi_reduction <add>, %convert_element_type3A_400, %reduce_sum3A_401 [1] : vector<1024x1024xi32> to vector<1024xi32>
    %broadcast_in_dim3A_403 = vector.shape_cast %reduce_sum3A_402 : vector<1024xi32> to vector<1024x1xi32>
    %ge3A_404 = arith.constant 64 : i32
    %ge3A_405 = vector.broadcast %ge3A_404 : i32 to vector<1024x1xi32>
    %ge3A_406 = arith.cmpi sge, %broadcast_in_dim3A_403, %ge3A_405 : vector<1024x1xi32>
    %select_n3A_407 = arith.select %ge3A_406, %or3A_394, %select_n3A_391 : vector<1024x1xi1>, vector<1024x1xi32>
    %or3A_408 = arith.constant 64 : i32
    %or3A_409 = vector.broadcast %or3A_408 : i32 to vector<1024x1xi32>
    %or3A_410 = arith.ori %select_n3A_407, %or3A_409 : vector<1024x1xi32>
    %xor3A_411 = arith.constant -2147483648 : i32
    %xor3A_412 = vector.broadcast %xor3A_411 : i32 to vector<1024x1xi32>
    %xor3A_413 = arith.xori %or3A_410, %xor3A_412 : vector<1024x1xi32>
    %ge3A_414 = vector.broadcast %xor3A_413 : vector<1024x1xi32> to vector<1024x1024xi32>
    %ge3A_415 = arith.cmpi sge, %xor3A_8, %ge3A_414 : vector<1024x1024xi32>
    %convert_element_type3A_416 = arith.extui %ge3A_415 : vector<1024x1024xi1> to vector<1024x1024xi32>
    %reduce_sum3A_417 = arith.constant dense<0> : vector<1024xi32>
    %reduce_sum3A_418 = vector.multi_reduction <add>, %convert_element_type3A_416, %reduce_sum3A_417 [1] : vector<1024x1024xi32> to vector<1024xi32>
    %broadcast_in_dim3A_419 = vector.shape_cast %reduce_sum3A_418 : vector<1024xi32> to vector<1024x1xi32>
    %ge3A_420 = arith.constant 64 : i32
    %ge3A_421 = vector.broadcast %ge3A_420 : i32 to vector<1024x1xi32>
    %ge3A_422 = arith.cmpi sge, %broadcast_in_dim3A_419, %ge3A_421 : vector<1024x1xi32>
    %select_n3A_423 = arith.select %ge3A_422, %or3A_410, %select_n3A_407 : vector<1024x1xi1>, vector<1024x1xi32>
    %or3A_424 = arith.constant 32 : i32
    %or3A_425 = vector.broadcast %or3A_424 : i32 to vector<1024x1xi32>
    %or3A_426 = arith.ori %select_n3A_423, %or3A_425 : vector<1024x1xi32>
    %xor3A_427 = arith.constant -2147483648 : i32
    %xor3A_428 = vector.broadcast %xor3A_427 : i32 to vector<1024x1xi32>
    %xor3A_429 = arith.xori %or3A_426, %xor3A_428 : vector<1024x1xi32>
    %ge3A_430 = vector.broadcast %xor3A_429 : vector<1024x1xi32> to vector<1024x1024xi32>
    %ge3A_431 = arith.cmpi sge, %xor3A_8, %ge3A_430 : vector<1024x1024xi32>
    %convert_element_type3A_432 = arith.extui %ge3A_431 : vector<1024x1024xi1> to vector<1024x1024xi32>
    %reduce_sum3A_433 = arith.constant dense<0> : vector<1024xi32>
    %reduce_sum3A_434 = vector.multi_reduction <add>, %convert_element_type3A_432, %reduce_sum3A_433 [1] : vector<1024x1024xi32> to vector<1024xi32>
    %broadcast_in_dim3A_435 = vector.shape_cast %reduce_sum3A_434 : vector<1024xi32> to vector<1024x1xi32>
    %ge3A_436 = arith.constant 64 : i32
    %ge3A_437 = vector.broadcast %ge3A_436 : i32 to vector<1024x1xi32>
    %ge3A_438 = arith.cmpi sge, %broadcast_in_dim3A_435, %ge3A_437 : vector<1024x1xi32>
    %select_n3A_439 = arith.select %ge3A_438, %or3A_426, %select_n3A_423 : vector<1024x1xi1>, vector<1024x1xi32>
    %or3A_440 = arith.constant 16 : i32
    %or3A_441 = vector.broadcast %or3A_440 : i32 to vector<1024x1xi32>
    %or3A_442 = arith.ori %select_n3A_439, %or3A_441 : vector<1024x1xi32>
    %xor3A_443 = arith.constant -2147483648 : i32
    %xor3A_444 = vector.broadcast %xor3A_443 : i32 to vector<1024x1xi32>
    %xor3A_445 = arith.xori %or3A_442, %xor3A_444 : vector<1024x1xi32>
    %ge3A_446 = vector.broadcast %xor3A_445 : vector<1024x1xi32> to vector<1024x1024xi32>
    %ge3A_447 = arith.cmpi sge, %xor3A_8, %ge3A_446 : vector<1024x1024xi32>
    %convert_element_type3A_448 = arith.extui %ge3A_447 : vector<1024x1024xi1> to vector<1024x1024xi32>
    %reduce_sum3A_449 = arith.constant dense<0> : vector<1024xi32>
    %reduce_sum3A_450 = vector.multi_reduction <add>, %convert_element_type3A_448, %reduce_sum3A_449 [1] : vector<1024x1024xi32> to vector<1024xi32>
    %broadcast_in_dim3A_451 = vector.shape_cast %reduce_sum3A_450 : vector<1024xi32> to vector<1024x1xi32>
    %ge3A_452 = arith.constant 64 : i32
    %ge3A_453 = vector.broadcast %ge3A_452 : i32 to vector<1024x1xi32>
    %ge3A_454 = arith.cmpi sge, %broadcast_in_dim3A_451, %ge3A_453 : vector<1024x1xi32>
    %select_n3A_455 = arith.select %ge3A_454, %or3A_442, %select_n3A_439 : vector<1024x1xi1>, vector<1024x1xi32>
    %or3A_456 = arith.constant 8 : i32
    %or3A_457 = vector.broadcast %or3A_456 : i32 to vector<1024x1xi32>
    %or3A_458 = arith.ori %select_n3A_455, %or3A_457 : vector<1024x1xi32>
    %xor3A_459 = arith.constant -2147483648 : i32
    %xor3A_460 = vector.broadcast %xor3A_459 : i32 to vector<1024x1xi32>
    %xor3A_461 = arith.xori %or3A_458, %xor3A_460 : vector<1024x1xi32>
    %ge3A_462 = vector.broadcast %xor3A_461 : vector<1024x1xi32> to vector<1024x1024xi32>
    %ge3A_463 = arith.cmpi sge, %xor3A_8, %ge3A_462 : vector<1024x1024xi32>
    %convert_element_type3A_464 = arith.extui %ge3A_463 : vector<1024x1024xi1> to vector<1024x1024xi32>
    %reduce_sum3A_465 = arith.constant dense<0> : vector<1024xi32>
    %reduce_sum3A_466 = vector.multi_reduction <add>, %convert_element_type3A_464, %reduce_sum3A_465 [1] : vector<1024x1024xi32> to vector<1024xi32>
    %broadcast_in_dim3A_467 = vector.shape_cast %reduce_sum3A_466 : vector<1024xi32> to vector<1024x1xi32>
    %ge3A_468 = arith.constant 64 : i32
    %ge3A_469 = vector.broadcast %ge3A_468 : i32 to vector<1024x1xi32>
    %ge3A_470 = arith.cmpi sge, %broadcast_in_dim3A_467, %ge3A_469 : vector<1024x1xi32>
    %select_n3A_471 = arith.select %ge3A_470, %or3A_458, %select_n3A_455 : vector<1024x1xi1>, vector<1024x1xi32>
    %or3A_472 = arith.constant 4 : i32
    %or3A_473 = vector.broadcast %or3A_472 : i32 to vector<1024x1xi32>
    %or3A_474 = arith.ori %select_n3A_471, %or3A_473 : vector<1024x1xi32>
    %xor3A_475 = arith.constant -2147483648 : i32
    %xor3A_476 = vector.broadcast %xor3A_475 : i32 to vector<1024x1xi32>
    %xor3A_477 = arith.xori %or3A_474, %xor3A_476 : vector<1024x1xi32>
    %ge3A_478 = vector.broadcast %xor3A_477 : vector<1024x1xi32> to vector<1024x1024xi32>
    %ge3A_479 = arith.cmpi sge, %xor3A_8, %ge3A_478 : vector<1024x1024xi32>
    %convert_element_type3A_480 = arith.extui %ge3A_479 : vector<1024x1024xi1> to vector<1024x1024xi32>
    %reduce_sum3A_481 = arith.constant dense<0> : vector<1024xi32>
    %reduce_sum3A_482 = vector.multi_reduction <add>, %convert_element_type3A_480, %reduce_sum3A_481 [1] : vector<1024x1024xi32> to vector<1024xi32>
    %broadcast_in_dim3A_483 = vector.shape_cast %reduce_sum3A_482 : vector<1024xi32> to vector<1024x1xi32>
    %ge3A_484 = arith.constant 64 : i32
    %ge3A_485 = vector.broadcast %ge3A_484 : i32 to vector<1024x1xi32>
    %ge3A_486 = arith.cmpi sge, %broadcast_in_dim3A_483, %ge3A_485 : vector<1024x1xi32>
    %select_n3A_487 = arith.select %ge3A_486, %or3A_474, %select_n3A_471 : vector<1024x1xi1>, vector<1024x1xi32>
    %or3A_488 = arith.constant 2 : i32
    %or3A_489 = vector.broadcast %or3A_488 : i32 to vector<1024x1xi32>
    %or3A_490 = arith.ori %select_n3A_487, %or3A_489 : vector<1024x1xi32>
    %xor3A_491 = arith.constant -2147483648 : i32
    %xor3A_492 = vector.broadcast %xor3A_491 : i32 to vector<1024x1xi32>
    %xor3A_493 = arith.xori %or3A_490, %xor3A_492 : vector<1024x1xi32>
    %ge3A_494 = vector.broadcast %xor3A_493 : vector<1024x1xi32> to vector<1024x1024xi32>
    %ge3A_495 = arith.cmpi sge, %xor3A_8, %ge3A_494 : vector<1024x1024xi32>
    %convert_element_type3A_496 = arith.extui %ge3A_495 : vector<1024x1024xi1> to vector<1024x1024xi32>
    %reduce_sum3A_497 = arith.constant dense<0> : vector<1024xi32>
    %reduce_sum3A_498 = vector.multi_reduction <add>, %convert_element_type3A_496, %reduce_sum3A_497 [1] : vector<1024x1024xi32> to vector<1024xi32>
    %broadcast_in_dim3A_499 = vector.shape_cast %reduce_sum3A_498 : vector<1024xi32> to vector<1024x1xi32>
    %ge3A_500 = arith.constant 64 : i32
    %ge3A_501 = vector.broadcast %ge3A_500 : i32 to vector<1024x1xi32>
    %ge3A_502 = arith.cmpi sge, %broadcast_in_dim3A_499, %ge3A_501 : vector<1024x1xi32>
    %select_n3A_503 = arith.select %ge3A_502, %or3A_490, %select_n3A_487 : vector<1024x1xi1>, vector<1024x1xi32>
    %or3A_504 = arith.constant 1 : i32
    %or3A_505 = vector.broadcast %or3A_504 : i32 to vector<1024x1xi32>
    %or3A_506 = arith.ori %select_n3A_503, %or3A_505 : vector<1024x1xi32>
    %xor3A_507 = arith.constant -2147483648 : i32
    %xor3A_508 = vector.broadcast %xor3A_507 : i32 to vector<1024x1xi32>
    %xor3A_509 = arith.xori %or3A_506, %xor3A_508 : vector<1024x1xi32>
    %ge3A_510 = vector.broadcast %xor3A_509 : vector<1024x1xi32> to vector<1024x1024xi32>
    %ge3A_511 = arith.cmpi sge, %xor3A_8, %ge3A_510 : vector<1024x1024xi32>
    %convert_element_type3A_512 = arith.extui %ge3A_511 : vector<1024x1024xi1> to vector<1024x1024xi32>
    %reduce_sum3A_513 = arith.constant dense<0> : vector<1024xi32>
    %reduce_sum3A_514 = vector.multi_reduction <add>, %convert_element_type3A_512, %reduce_sum3A_513 [1] : vector<1024x1024xi32> to vector<1024xi32>
    %broadcast_in_dim3A_515 = vector.shape_cast %reduce_sum3A_514 : vector<1024xi32> to vector<1024x1xi32>
    %ge3A_516 = arith.constant 64 : i32
    %ge3A_517 = vector.broadcast %ge3A_516 : i32 to vector<1024x1xi32>
    %ge3A_518 = arith.cmpi sge, %broadcast_in_dim3A_515, %ge3A_517 : vector<1024x1xi32>
    %select_n3A_519 = arith.select %ge3A_518, %or3A_506, %select_n3A_503 : vector<1024x1xi1>, vector<1024x1xi32>
    %lt3A = arith.constant 0 : i32
    %lt3A_520 = vector.broadcast %lt3A : i32 to vector<1024x1xi32>
    %lt3A_521 = arith.cmpi slt, %select_n3A_519, %lt3A_520 : vector<1024x1xi32>
    %and3A = arith.constant 2147483647 : i32
    %and3A_522 = vector.broadcast %and3A : i32 to vector<1024x1xi32>
    %and3A_523 = arith.andi %select_n3A_519, %and3A_522 : vector<1024x1xi32>
    %not3A_524 = arith.constant dense<-1> : vector<1024x1xi32>
    %not3A_525 = arith.xori %select_n3A_519, %not3A_524 : vector<1024x1xi32>
    %select_n3A_526 = arith.select %lt3A_521, %and3A_523, %not3A_525 : vector<1024x1xi1>, vector<1024x1xi32>
    %bitcast_convert_type3A_527 = tpu.bitcast %select_n3A_526 : vector<1024x1xi32> -> vector<1024x1xf32>
    %broadcast_in_dim3A_528 = vector.shape_cast %bitcast_convert_type3A_527 : vector<1024x1xf32> to vector<1024x1xf32>
    %broadcast_in_dim3A_529 = vector.broadcast %broadcast_in_dim3A_528 : vector<1024x1xf32> to vector<1024x128xf32>
    %swap3A = arith.constant 0 : index
    %swap3A_530 = arith.constant 0 : index
    %swap3A_531 = vector.load %arg2[%swap3A, %swap3A_530] : memref<1024x128xf32, #tpu.memory_space<vmem>>, vector<1024x128xf32>
    tpu.vector_store %arg2[%swap3A, %swap3A_530], %broadcast_in_dim3A_529 {strides = array<i32>} : memref<1024x128xf32, #tpu.memory_space<vmem>>, vector<1024x128xf32>,
    return
  }
  func.func @transform_0(%arg0: i32) -> (i32, i32) {
    %c0_i32 = arith.constant 0 : i32
    %c0_i32_0 = arith.constant 0 : i32
    %c0_i32_1 = arith.constant 0 : i32
    return %c0_i32, %c0_i32_0 : i32, i32
  }
  func.func @transform_1(%arg0: i32) -> (i32, i32) {
    %c0_i32 = arith.constant 0 : i32
    %c0_i32_0 = arith.constant 0 : i32
    %c0_i32_1 = arith.constant 0 : i32
    return %c0_i32, %c0_i32_0 : i32, i32
  }
}

module attributes {stable_mosaic.version = 14 : i64} {
  func.func @_sample_body(%arg0: i32, %arg1: memref<1024x1000xf32, #tpu.memory_space<vmem>>, %arg2: memref<1024x1024xf32, #tpu.memory_space<vmem>>, %arg3: memref<1024x128xf32, #tpu.memory_space<vmem>>, %arg4: memref<1x8x128xi32, #tpu.memory_space<vmem>>) attributes {dimension_semantics = [#tpu.dimension_semantics<arbitrary>], iteration_bounds = array<i64: 32>, scalar_prefetch = 0 : i64, scratch_operands = 0 : i64, tpu.core_type = #tpu.core_type<tc>, window_params = [{transform_indices = @transform_0, window_bounds = array<i64: 1024, 1000>}, {pipeline_mode = #tpu.pipeline_mode<synchronous>, transform_indices = @transform_1, window_bounds = array<i64: 1024, 1024>}, {pipeline_mode = #tpu.pipeline_mode<synchronous>, transform_indices = @transform_2, window_bounds = array<i64: 1024, 128>}, {transform_indices = @transform_3, window_bounds = array<i64: 1, 8, 128>}]} {
    %get3A = arith.constant 0 : index
    %get3A_0 = arith.constant 0 : index
    %get3A_1 = vector.load %arg1[%get3A, %get3A_0] : memref<1024x1000xf32, #tpu.memory_space<vmem>>, vector<1024x1000xf32>
    %get3A_2 = arith.constant 0 : index
    %get3A_3 = arith.constant 0 : index
    %get3A_4 = vector.load %arg2[%get3A_2, %get3A_3] : memref<1024x1024xf32, #tpu.memory_space<vmem>>, vector<1024x1024xf32>
    %slice3A = vector.extract_strided_slice %get3A_4 {offsets = [0, 0], sizes = [1024, 1000], strides = [1, 1]} : vector<1024x1024xf32> to vector<1024x1000xf32>
    %get3A_5 = arith.constant 0 : index
    %get3A_6 = arith.constant 0 : index
    %get3A_7 = vector.load %arg3[%get3A_5, %get3A_6] : memref<1024x128xf32, #tpu.memory_space<vmem>>, vector<1024x128xf32>
    %slice3A_8 = vector.extract_strided_slice %get3A_7 {offsets = [0, 0], sizes = [1024, 1], strides = [1, 1]} : vector<1024x128xf32> to vector<1024x1xf32>
    %ge3A = vector.broadcast %slice3A_8 : vector<1024x1xf32> to vector<1024x1000xf32>
    %ge3A_9 = arith.cmpf oge, %slice3A, %ge3A : vector<1024x1000xf32>
    %jit3A = arith.constant 0xFF800000 : f32
    %broadcast_in_dim3A = vector.broadcast %jit3A : f32 to vector<1024x1000xf32>
    %select_n3A = arith.select %ge3A_9, %slice3A, %broadcast_in_dim3A : vector<1024x1000xi1>, vector<1024x1000xf32>
    %add3A = arith.constant 9.99999971E-10 : f32
    %add3A_10 = vector.broadcast %add3A : f32 to vector<1024x1000xf32>
    %add3A_11 = arith.addf %get3A_1, %add3A_10 : vector<1024x1000xf32>
    %log3A = math.log %add3A_11 : vector<1024x1000xf32>
    %neg3A = arith.constant 0.000000e+00 : f32
    %neg3A_12 = vector.broadcast %neg3A : f32 to vector<1024x1000xf32>
    %neg3A_13 = arith.subf %neg3A_12, %log3A : vector<1024x1000xf32>
    %add3A_14 = arith.constant 9.99999971E-10 : f32
    %add3A_15 = vector.broadcast %add3A_14 : f32 to vector<1024x1000xf32>
    %add3A_16 = arith.addf %neg3A_13, %add3A_15 : vector<1024x1000xf32>
    %log3A_17 = math.log %add3A_16 : vector<1024x1000xf32>
    %neg3A_18 = arith.constant 0.000000e+00 : f32
    %neg3A_19 = vector.broadcast %neg3A_18 : f32 to vector<1024x1000xf32>
    %neg3A_20 = arith.subf %neg3A_19, %log3A_17 : vector<1024x1000xf32>
    %add3A_21 = arith.addf %select_n3A, %neg3A_20 : vector<1024x1000xf32>
    %argmax3A = tpu.reduce_index %add3A_21 {axis = 1 : i32, kind = #tpu.reduction_kind<arg_max>} : vector<1024x1000xf32> -> vector<1024xi32>
    %reshape3A = vector.shape_cast %argmax3A : vector<1024xi32> to vector<1x8x128xi32>
    %swap3A = arith.constant 0 : index
    %swap3A_22 = arith.constant 0 : index
    %swap3A_23 = arith.constant 0 : index
    %swap3A_24 = vector.load %arg4[%swap3A, %swap3A_22, %swap3A_23] : memref<1x8x128xi32, #tpu.memory_space<vmem>>, vector<1x8x128xi32>
    tpu.vector_store %arg4[%swap3A, %swap3A_22, %swap3A_23], %reshape3A {strides = array<i32>} : memref<1x8x128xi32, #tpu.memory_space<vmem>>, vector<1x8x128xi32>,
    return
  }
  func.func @transform_0(%arg0: i32) -> (i32, i32) {
    %c0_i32 = arith.constant 0 : i32
    %c0_i32_0 = arith.constant 0 : i32
    return %arg0, %c0_i32 : i32, i32
  }
  func.func @transform_1(%arg0: i32) -> (i32, i32) {
    %c0_i32 = arith.constant 0 : i32
    %c0_i32_0 = arith.constant 0 : i32
    %c0_i32_1 = arith.constant 0 : i32
    return %c0_i32, %c0_i32_0 : i32, i32
  }
  func.func @transform_2(%arg0: i32) -> (i32, i32) {
    %c0_i32 = arith.constant 0 : i32
    %c0_i32_0 = arith.constant 0 : i32
    %c0_i32_1 = arith.constant 0 : i32
    return %c0_i32, %c0_i32_0 : i32, i32
  }
  func.func @transform_3(%arg0: i32) -> (i32, i32, i32) {
    %c0_i32 = arith.constant 0 : i32
    %c0_i32_0 = arith.constant 0 : i32
    %c0_i32_1 = arith.constant 0 : i32
    return %arg0, %c0_i32, %c0_i32_0 : i32, i32, i32
  }
}

module attributes {stable_mosaic.version = 14 : i64} {
  func.func @_select_body(%arg0: i32, %arg1: memref<1024x128xf32, #tpu.memory_space<vmem>>, %arg2: memref<1024x128xf32, #tpu.memory_space<vmem>>, %arg3: memref<1024x64xf32, #tpu.memory_space<vmem>>, %arg4: memref<2x1024x64xf32, #tpu.memory_space<vmem>>, %arg5: memref<32xf32, #tpu.memory_space<smem>>) attributes {dimension_semantics = [#tpu.dimension_semantics<arbitrary>], iteration_bounds = array<i64: 64>, scalar_prefetch = 0 : i64, scratch_operands = 1 : i64, tpu.core_type = #tpu.core_type<tc>, window_params = [{transform_indices = @transform_0, window_bounds = array<i64: 1024, 128>}, {transform_indices = @transform_1, window_bounds = array<i64: 1024, 128>}, {pipeline_mode = #tpu.pipeline_mode<synchronous>, transform_indices = @transform_2, window_bounds = array<i64: 1024, 64>}, {pipeline_mode = #tpu.pipeline_mode<synchronous>, transform_indices = @transform_3, window_bounds = array<i64: 2, 1024, 64>}]} {
    %jit3A = arith.constant 32 : i32
    %eq3A = arith.constant 0 : i32
    %eq3A_0 = arith.cmpi eq, %jit3A, %eq3A : i32
    %jit3A_1 = arith.constant 1 : i32
    %select_n3A = arith.select %eq3A_0, %jit3A_1, %jit3A : i32
    %rem3A = arith.remsi %arg0, %select_n3A : i32
    %ne3A = arith.constant 0 : i32
    %ne3A_2 = arith.cmpi ne, %rem3A, %ne3A : i32
    %lt3A = arith.constant 0 : i32
    %lt3A_3 = arith.cmpi slt, %rem3A, %lt3A : i32
    %lt3A_4 = arith.constant 0 : i32
    %lt3A_5 = arith.cmpi slt, %select_n3A, %lt3A_4 : i32
    %ne3A_6 = arith.xori %lt3A_3, %lt3A_5 : i1
    %and3A = arith.andi %ne3A_6, %ne3A_2 : i1
    %add3A = arith.addi %rem3A, %select_n3A : i32
    %select_n3A_7 = arith.select %and3A, %add3A, %rem3A : i32
    %get3A = arith.constant 0 : index
    %get3A_8 = arith.constant 0 : index
    %get3A_9 = vector.load %arg1[%get3A, %get3A_8] : memref<1024x128xf32, #tpu.memory_space<vmem>>, vector<1024x128xf32>
    %slice3A = vector.extract_strided_slice %get3A_9 {offsets = [0, 0], sizes = [1024, 64], strides = [1, 1]} : vector<1024x128xf32> to vector<1024x64xf32>
    %get3A_10 = arith.constant 0 : index
    %get3A_11 = arith.constant 0 : index
    %get3A_12 = vector.load %arg2[%get3A_10, %get3A_11] : memref<1024x128xf32, #tpu.memory_space<vmem>>, vector<1024x128xf32>
    %slice3A_13 = vector.extract_strided_slice %get3A_12 {offsets = [0, 0], sizes = [1024, 64], strides = [1, 1]} : vector<1024x128xf32> to vector<1024x64xf32>
    %get3A_14 = arith.constant 0 : index
    %get3A_15 = arith.constant 0 : index
    %get3A_16 = vector.load %arg3[%get3A_14, %get3A_15] : memref<1024x64xf32, #tpu.memory_space<vmem>>, vector<1024x64xf32>
    %lt3A_17 = arith.constant 32 : i32
    %lt3A_18 = arith.cmpi slt, %arg0, %lt3A_17 : i32
    %convert_element_type3A = arith.extui %lt3A_18 : i1 to i32
    %cond3A = arith.constant 0 : i32
    %cond3A_19 = arith.cmpi ne, %convert_element_type3A, %cond3A : i32
    scf.if %cond3A_19 {
      %mul3A = arith.constant 5.000000e-01 : f32
      %mul3A_24 = vector.broadcast %mul3A : f32 to vector<1024x64xf32>
      %mul3A_25 = arith.mulf %mul3A_24, %slice3A : vector<1024x64xf32>
      %mul3A_26 = arith.constant 5.000000e-01 : f32
      %mul3A_27 = vector.broadcast %mul3A_26 : f32 to vector<1024x64xf32>
      %mul3A_28 = arith.mulf %mul3A_27, %slice3A_13 : vector<1024x64xf32>
      %add3A_29 = arith.addf %mul3A_25, %mul3A_28 : vector<1024x64xf32>
      %sub3A = arith.subf %add3A_29, %get3A_16 : vector<1024x64xf32>
      %mul3A_30 = arith.mulf %sub3A, %sub3A : vector<1024x64xf32>
      %reduce_sum3A = vector.shape_cast %mul3A_30 : vector<1024x64xf32> to vector<1x1024x64xf32>
      %reduce_sum3A_31 = arith.constant dense<0.000000e+00> : vector<1xf32>
      %reduce_sum3A_32 = vector.multi_reduction <add>, %reduce_sum3A, %reduce_sum3A_31 [1, 2] : vector<1x1024x64xf32> to vector<1xf32>
      %reduce_sum3A_33 = vector.shape_cast %reduce_sum3A_32 : vector<1xf32> to vector<1x1x1xf32>
      %reduce_sum3A_34 = vector.extract %reduce_sum3A_33[0, 0, 0] : f32 from vector<1x1x1xf32>
      %sqrt3A = math.sqrt %reduce_sum3A_34 : f32
      %swap3A = arith.index_cast %select_n3A_7 : i32 to index
      %swap3A_35 = memref.load %arg5[%swap3A] : memref<32xf32, #tpu.memory_space<smem>>
      memref.store %sqrt3A, %arg5[%swap3A] : memref<32xf32, #tpu.memory_space<smem>>
    } else {
    }
    %ge3A = arith.constant 32 : i32
    %ge3A_20 = arith.cmpi sge, %arg0, %ge3A : i32
    %convert_element_type3A_21 = arith.extui %ge3A_20 : i1 to i32
    %cond3A_22 = arith.constant 0 : i32
    %cond3A_23 = arith.cmpi ne, %convert_element_type3A_21, %cond3A_22 : i32
    scf.if %cond3A_23 {
      %scan3A = arith.constant 0x7F800000 : f32
      %scan3A_24 = arith.constant 0 : i32
      %scan3A_25 = arith.constant 0 : i32
      %scan3A_26 = arith.constant 32 : i32
      %scan3A_27 = arith.addi %scan3A_25, %scan3A_26 : i32
      %scan3A_28 = arith.constant 1 : i32
      %scan3A_29:2 = scf.for %scan3A_35 = %scan3A_25 to %scan3A_27 step %scan3A_28 iter_args(%scan3A_36 = %scan3A, %scan3A_37 = %scan3A_24) -> (f32, i32)  : i32 {
        %get3A_38 = arith.index_cast %scan3A_35 : i32 to index
        %get3A_39 = memref.load %arg5[%get3A_38] : memref<32xf32, #tpu.memory_space<smem>>
        %lt3A_40 = arith.cmpf olt, %get3A_39, %scan3A_36 : f32
        %select_n3A_41 = arith.select %lt3A_40, %get3A_39, %scan3A_36 : f32
        %select_n3A_42 = arith.select %lt3A_40, %scan3A_35, %scan3A_37 : i32
        scf.yield %select_n3A_41, %select_n3A_42 : f32, i32
      }
      %scan3A_30 = arith.constant 32 : i32
      %eq3A_31 = arith.cmpi eq, %select_n3A_7, %scan3A_29#1 : i32
      %convert_element_type3A_32 = arith.extui %eq3A_31 : i1 to i32
      %cond3A_33 = arith.constant 0 : i32
      %cond3A_34 = arith.cmpi ne, %convert_element_type3A_32, %cond3A_33 : i32
      scf.if %cond3A_34 {
        %broadcast_in_dim3A = vector.shape_cast %slice3A : vector<1024x64xf32> to vector<1x1024x64xf32>
        %broadcast_in_dim3A_35 = vector.shape_cast %slice3A_13 : vector<1024x64xf32> to vector<1x1024x64xf32>
        %concatenate3A = tpu.concatenate %broadcast_in_dim3A, %broadcast_in_dim3A_35 in 0 : vector<1x1024x64xf32>, vector<1x1024x64xf32> -> vector<2x1024x64xf32>
        %swap3A = arith.constant 0 : index
        %swap3A_36 = arith.constant 0 : index
        %swap3A_37 = arith.constant 0 : index
        %swap3A_38 = vector.load %arg4[%swap3A, %swap3A_36, %swap3A_37] : memref<2x1024x64xf32, #tpu.memory_space<vmem>>, vector<2x1024x64xf32>
        tpu.vector_store %arg4[%swap3A, %swap3A_36, %swap3A_37], %concatenate3A {strides = array<i32>} : memref<2x1024x64xf32, #tpu.memory_space<vmem>>, vector<2x1024x64xf32>,
      } else {
      }
    } else {
    }
    return
  }
  func.func @transform_0(%arg0: i32) -> (i32, i32) {
    %jit3A = arith.constant 32 : i32
    %eq3A = arith.constant 0 : i32
    %eq3A_0 = arith.cmpi eq, %jit3A, %eq3A : i32
    %jit3A_1 = arith.constant 1 : i32
    %select_n3A = arith.select %eq3A_0, %jit3A_1, %jit3A : i32
    %rem3A = arith.remsi %arg0, %select_n3A : i32
    %ne3A = arith.constant 0 : i32
    %ne3A_2 = arith.cmpi ne, %rem3A, %ne3A : i32
    %lt3A = arith.constant 0 : i32
    %lt3A_3 = arith.cmpi slt, %rem3A, %lt3A : i32
    %lt3A_4 = arith.constant 0 : i32
    %lt3A_5 = arith.cmpi slt, %select_n3A, %lt3A_4 : i32
    %ne3A_6 = arith.xori %lt3A_3, %lt3A_5 : i1
    %and3A = arith.andi %ne3A_6, %ne3A_2 : i1
    %add3A = arith.addi %rem3A, %select_n3A : i32
    %select_n3A_7 = arith.select %and3A, %add3A, %rem3A : i32
    %c0_i32 = arith.constant 0 : i32
    %c0_i32_8 = arith.constant 0 : i32
    return %select_n3A_7, %c0_i32 : i32, i32
  }
  func.func @transform_1(%arg0: i32) -> (i32, i32) {
    %jit3A = arith.constant 32 : i32
    %eq3A = arith.constant 0 : i32
    %eq3A_0 = arith.cmpi eq, %jit3A, %eq3A : i32
    %jit3A_1 = arith.constant 1 : i32
    %select_n3A = arith.select %eq3A_0, %jit3A_1, %jit3A : i32
    %rem3A = arith.remsi %arg0, %select_n3A : i32
    %ne3A = arith.constant 0 : i32
    %ne3A_2 = arith.cmpi ne, %rem3A, %ne3A : i32
    %lt3A = arith.constant 0 : i32
    %lt3A_3 = arith.cmpi slt, %rem3A, %lt3A : i32
    %lt3A_4 = arith.constant 0 : i32
    %lt3A_5 = arith.cmpi slt, %select_n3A, %lt3A_4 : i32
    %ne3A_6 = arith.xori %lt3A_3, %lt3A_5 : i1
    %and3A = arith.andi %ne3A_6, %ne3A_2 : i1
    %add3A = arith.addi %rem3A, %select_n3A : i32
    %select_n3A_7 = arith.select %and3A, %add3A, %rem3A : i32
    %c0_i32 = arith.constant 0 : i32
    %c0_i32_8 = arith.constant 0 : i32
    return %select_n3A_7, %c0_i32 : i32, i32
  }
  func.func @transform_2(%arg0: i32) -> (i32, i32) {
    %c0_i32 = arith.constant 0 : i32
    %c0_i32_0 = arith.constant 0 : i32
    %c0_i32_1 = arith.constant 0 : i32
    return %c0_i32, %c0_i32_0 : i32, i32
  }
  func.func @transform_3(%arg0: i32) -> (i32, i32, i32) {
    %c0_i32 = arith.constant 0 : i32
    %c0_i32_0 = arith.constant 0 : i32
    %c0_i32_1 = arith.constant 0 : i32
    %c0_i32_2 = arith.constant 0 : i32
    return %c0_i32, %c0_i32_0, %c0_i32_1 : i32, i32, i32
  }
}

</mosaic_0001>

<sc_bundles>
// kernel: kernel.11.cloned.1.call-start
scs
__scs_entry_jumppad:
0x0: {  	(pc) =	sbr.rel $0x88, $3  }
0x1: {  	(tag) =	ssettag $0x0;
	lr =	simm.s32 $0x1  }
0x2: {  	[smem:$0x3F9B] =	sst lr;
	_ =	strace $0xD0000000  }
0x3: {  	_ = 	snop  }
0x4: {  	_ = 	snop  }
0x5: {  	_ = 	snop  }
0x6: {  	_ = 	snop  }
0x7: {  	_ = 	snop  }
__scs_overlays_trampoline_lowered:
0x8: {  	[smem:$0x3FAA] =	sst s0  }
0x9: {  	[smem:$0x3FAB] =	sst s1  }
0xa: {  	[smem:$0x3FAC] =	sst s2  }
0xb: {  	[smem:$0x3FAD] =	sst s3  }
0xc: {  	[smem:$0x3FAE] =	sst s4  }
0xd: {  	[smem:$0x3FAF] =	sst s5  }
0xe: {  	[smem:$0x3FB0] =	sst s6  }
0xf: {  	[smem:$0x3FB1] =	sst s7  }
0x10: {  	[smem:$0x3FB2] =	sst s8  }
0x11: {  	[smem:$0x3FB3] =	sst s9;
	s0 =	simm.s32 @!p0 $0x0  }
0x12: {  	s1 =	sld [smem:$0x3F99];
	s0 =	simm.s32 @p0 $0x1  }
0x13: {  	[smem:$0x3FB4] =	sst s0;
	s0 =	simm.s32 @!p1 $0x0  }
0x14: {  	s2 =	sld [smem:$0x3F98];
	s0 =	simm.s32 @p1 $0x1  }
0x15: {  	[smem:$0x3FB5] =	sst s0;
	s0 =	simm.s32 @!p2 $0x0  }
0x16: {  	s3 =	sld [smem:$0x3FDB];
	s0 =	simm.s32 @p2 $0x1  }
0x17: {  	s4 =	simm.s32 $0x1BF5;
	[smem:$0x3FB7] =	sst s0  }
0x18: {  	s0 =	sld [smem:$0x3F9A];
	_ =	swait.ge [sflag:s4], $0x0  }
0x19: {  	s7 =	sld [smem:$0x3F9B]  }
0x1a: {  	s8 =	sadd.s32 $0xFFFFE003, lr  }
0x1b: {  	s9 =	sadd.s32 $0xFFFFFEF7, lr;
	s5 =	simm.s32 $0xFFFFFFFF;
	p2 =	slt.u32 s8, $0xFFFFF086  }
0x1c: {  	p1 =	slt.u32 s9, $0xF7A;
	s5 =	simm.s32 @!p2 $0x0  }
0x1d: {  	s5 =	simm.s32 @p1 $0x1;
	p0 =	seq.s32 s7, s2  }
0x1e: {  	s7 =	smul.u32 @!p0 $0xF7A, s2;
	p2 =	seq.s32 @!p0 s5, $0x0  }
0x1f: {  	s9 =	smul.u32 $0xF7A, s1;
	s8 =	simm.s32 @!p0 $0x1BF5;
	p2 =	por !p2, p0  }
0x20: {  	[sflag:s8] =	ssyncset.s32 @!p0 $0xFFFFF086;
	s6 =	sadd.s32 @!p0 s3, s7;
	s7 =	simm.s32 @!p0 $0x108  }
0x21: {  	s3 =	sadd.s32 s3, s9;
	s6 =	sadd.s32 @!p0 $0x88, s6;
	s7 =	simm.s32 @p2 $0x1082  }
0x22: {  	[simem:s7], [sflag:s8] =	dma.local @!p0 [hbm:s6], $0xF7A  }
0x23: {  	s9 =	sor.u32 $0xD0000000, s2;
	s6 =	simm.s32 $0x108;
	_ =	swait.ge @!p0 [sflag:s8], $0x0  }
0x24: {  	s3 =	sadd.s32 $0x88, s3;
	s6 =	simm.s32 @!p1 $0x1082;
	[sflag:s4] =	ssyncset.s32 $0xFFFFF086  }
0x25: {  	[simem:s6], [sflag:s4] =	dma.local [hbm:s3], $0xF7A  }
0x26: {  	[smem:$0x3F9B] =	sst s1;
	(tag) =	ssettag s2;
	_ =	strace s9  }
0x27: {  	s1 =	sld [smem:$0x3FAB]  }
0x28: {  	s2 =	sld [smem:$0x3FAC]  }
0x29: {  	s4 =	sld [smem:$0x3FAE]  }
0x2a: {  	p0 =	seq.s32 s5, $0x0;
	s5 =	sld [smem:$0x3FAF]  }
0x2b: {  	s6 =	sld [smem:$0x3FB0]  }
0x2c: {  	s7 =	sld [smem:$0x3FB1]  }
0x2d: {  	s3 =	simm.s32 $0x108;
	s8 =	sld [smem:$0x3FB2]  }
0x2e: {  	s3 =	simm.s32 @!p0 $0x1082;
	s9 =	sld [smem:$0x3FB3]  }
0x2f: {  	lr =	sadd.s32 s0, s3;
	s0 =	sld [smem:$0x3FAA]  }
0x30: {  	s3 =	sld [smem:$0x3FAD]  }
0x31: {  	[smem:$0x3FB6] =	sst s10  }
0x32: {  	s10 =	sld [smem:$0x3FB4];
	_ =	sdelay $0x3  }
0x33: {  	p0 =	seq.s32 s10, $0x1;
	s10 =	sld [smem:$0x3FB6];
	_ =	sdelay $0x3  }
0x34: {  	[smem:$0x3FB6] =	sst s10  }
0x35: {  	s10 =	sld [smem:$0x3FB5];
	_ =	sdelay $0x3  }
0x36: {  	p1 =	seq.s32 s10, $0x1;
	s10 =	sld [smem:$0x3FB6];
	_ =	sdelay $0x3  }
0x37: {  	[smem:$0x3FB6] =	sst s10  }
0x38: {  	s10 =	sld [smem:$0x3FB7]  }
0x39: {  	_ = 	snop;
	(pc) =	sbr.ind lr, $3  }
0x3a: {  	_ = 	snop  }
0x3b: {  	_ = 	snop  }
0x3c: {  	p2 =	seq.s32 s10, $0x1;
	s10 =	sld [smem:$0x3FB6]  }
0x3d: {  	_ =	shalt  }
0x3e: {  	_ =	shalt  }
0x3f: {  	_ =	shalt  }
0x40: {  	_ =	shalt  }
0x41: {  	_ =	shalt  }
0x42: {  	_ =	shalt  }
0x43: {  	_ =	shalt  }
0x44: {  	_ =	shalt  }
0x45: {  	_ =	shalt  }
0x46: {  	_ =	shalt  }
0x47: {  	_ =	shalt  }
0x48: {  	_ =	shalt  }
0x49: {  	_ =	shalt  }
0x4a: {  	_ =	shalt  }
0x4b: {  	_ =	shalt  }
0x4c: {  	_ =	shalt  }
0x4d: {  	_ =	shalt  }
0x4e: {  	_ =	shalt  }
0x4f: {  	_ =	shalt  }
0x50: {  	_ =	shalt  }
0x51: {  	_ =	shalt  }
0x52: {  	_ =	shalt  }
0x53: {  	_ =	shalt  }
0x54: {  	_ =	shalt  }
0x55: {  	_ =	shalt  }
0x56: {  	_ =	shalt  }
0x57: {  	_ =	shalt  }
0x58: {  	_ =	shalt  }
0x59: {  	_ =	shalt  }
0x5a: {  	_ =	shalt  }
0x5b: {  	_ =	shalt  }
0x5c: {  	_ =	shalt  }
0x5d: {  	_ =	shalt  }
0x5e: {  	_ =	shalt  }
0x5f: {  	_ =	shalt  }
0x60: {  	_ =	shalt  }
0x61: {  	_ =	shalt  }
0x62: {  	_ =	shalt  }
0x63: {  	_ =	shalt  }
0x64: {  	_ =	shalt  }
0x65: {  	_ =	shalt  }
0x66: {  	_ =	shalt  }
0x67: {  	_ =	shalt  }
0x68: {  	_ =	shalt  }
0x69: {  	_ =	shalt  }
0x6a: {  	_ =	shalt  }
0x6b: {  	_ =	shalt  }
0x6c: {  	_ =	shalt  }
0x6d: {  	_ =	shalt  }
0x6e: {  	_ =	shalt  }
0x6f: {  	_ =	shalt  }
0x70: {  	_ =	shalt  }
0x71: {  	_ =	shalt  }
0x72: {  	_ =	shalt  }
0x73: {  	_ =	shalt  }
0x74: {  	_ =	shalt  }
0x75: {  	_ =	shalt  }
0x76: {  	_ =	shalt  }
0x77: {  	_ =	shalt  }
0x78: {  	_ =	shalt  }
0x79: {  	_ =	shalt  }
0x7a: {  	_ =	shalt  }
0x7b: {  	_ =	shalt  }
0x7c: {  	_ =	shalt  }
0x7d: {  	_ =	shalt  }
0x7e: {  	_ =	shalt  }
0x7f: {  	_ =	shalt  }
0x80: {  	_ =	shalt  }
0x81: {  	_ =	shalt  }
0x82: {  	_ =	shalt  }
0x83: {  	_ =	shalt  }
0x84: {  	_ =	shalt  }
0x85: {  	_ =	shalt  }
0x86: {  	_ =	shalt  }
0x87: {  	_ =	shalt  }
.Lfunc_end0:
.L_simem_size_0:
called_computation_lowered:
.L_overlay_start_0:
0x88: {  	s2 =	sld [smem:$0x3FD9]  }
0x89: {  	s3 =	sld [smem:$0x3FFE];
	_ =	sdelay $0x1  }
0x8a: {  	s1 =	srdreg.scid  }
0x8b: {  	s0 =	sand.u32 $0x1, s1  }
0x8c: {  	s16 =	sshll.u32 s0, $0xA;
	s2 =	sadd.s32 s3, s2  }
0x8d: {  	s2 =	sadd.s32 s2, s16  }
0x8e: {  	[smem:$0x3FC2] =	sst s2  }
0x8f: {  	_ = 	snop  }
0x90: {  	(tm) =	ssettm $0x1  }
0x91: {  	s17 =	sld [smem:$0x3FFB];
	_ =	sdelay $0x3  }
0x92: {  	_ =	strace s17  }
0x93: {  	s2 =	sld [smem:$0x3FFC];
	_ =	sdelay $0x3  }
0x94: {  	_ =	strace s2  }
0x95: {  	s2 =	sld [smem:$0x3FFD];
	_ =	sdelay $0x3  }
0x96: {  	_ =	strace s2  }
0x97: {  	_ =	strace $0x8FFFFFFF  }
0x98: {  	s18 =	sld [smem:$0x3FDB];
	_ =	sdelay $0x1  }
0x99: {  	s19 =	simm.s32 $_scs_section_size  }
0x9a: {  	s4 =	simm.s32 $_size__tile_overlayer_lowered;
	s5 =	simm.s32 $_tile_overlayer_lowered  }
0x9b: {  	s22 =	simm.s32 $0x1BFF;
	s21 =	sshll.u32 s5, $0x1;
	s2 =	sadd.s32 s19, s18  }
0x9c: {  	s6 =	simm.s32 $0x0;
	s20 =	sshll.u32 s4, $0x1;
	s4 =	sadd.s32 s21, s2  }
0x9d: {  	[timem:s6], [sflag:s22] =	dma.local [hbm:s4], s20  }
0x9e: {  	_ =	swait.ge [sflag:s22], s20  }
0x9f: {  	s3 =	ssub.s32 $0x0, s20;
	[sflag:s22] =	ssyncset.done $0x0  }
0xa0: {  	[sflag:s22] =	ssyncadd.s32 s3;
	_ =	sdelay $0x1  }
0xa1: {  	s23 =	simm.s32 $0x1B8B  }
0xa2: {  	_ =	swait.ge [sflag:s23], $0x1  }
0xa3: {  	[sflag:s23] =	ssyncset.done $0x0  }
0xa4: {  	s25 =	simm.s32 $0x1B8E;
	s24 =	sld [smem:$0x3FFE];
	[sflag:s23] =	ssyncadd.s32 $0xFFFFFFFF  }
0xa5: {  	s26 =	simm.s32 $execute0_lowered;
	[smem:$0x3FD2] =	sst s25  }
0xa6: {  	s4 =	sshll.u32 s26, $0x1;
	_ =	strace $0x80000046;
	[dreg:$0x1] =	wrdreg $0xFFFFFFFF  }
0xa7: {  	s28 =	simm.s32 $_size_execute0_lowered;
	s2 =	sadd.s32 s2, s4;
	[dreg:$0x0] =	wrdreg $0x0  }
0xa8: {  	s4 =	sshll.u32 s28, $0x1;
	[dreg:$0x2] =	wrdreg s2  }
0xa9: {  	[dreg:$0x3] =	wrdreg s4  }
0xaa: {  	[dreg:$0x4] =	wrdreg $0xC0  }
0xab: {  	_ =	task [dreg:s6], $0x5FFFF  }
0xac: {  	[dreg:$0x1] =	wrdreg $0xFFFFFFFF  }
0xad: {  	[dreg:$0x0] =	wrdreg $0x60  }
0xae: {  	[dreg:$0x2] =	wrdreg s24  }
0xaf: {  	[dreg:$0x3] =	wrdreg $0x9  }
0xb0: {  	_ =	task.clear_ibuf [dreg:s6], $0x4FFFF;
	_ =	strace $0x90000046  }
0xb1: {  	s29 =	simm.s32 $0x9;
	_ =	strace $0x80000048  }
0xb2: {  	_ =	swait.ge [sflag:s29], $0x1  }
0xb3: {  	[sflag:s29] =	ssyncadd.s32 $0xFFFFFFFF  }
0xb4: {  	_ =	strace $0x90000048  }
0xb5: {  	_ =	sfence  }
0xb6: {  	s30 =	sld [smem:$0x0];
	_ =	sdelay $0x2  }
0xb7: {  	s31 =	sshll.u32 s1, $0xD;
	s1 =	sshrl.u32 s1, $0x2  }
0xb8: {  	s3 =	sand.u32 $0x4000, s31;
	s1 =	sadd.s32 s1, s30  }
0xb9: {  	s0 =	sor.u32 s3, s0;
	s1 =	sshll.u32 s1, $0x11  }
0xba: {  	s0 =	sor.u32 s1, s0  }
0xbb: {  	s0 =	sadd.s32 $0x8F2B, s0  }
0xbc: {  	[sflag:s0] =	ssyncadd.remote.s32 $0x1  }
0xbd: {  	_ =	sfence.sel $0xFFFF  }
0xbe: {  	[dreg:$0x0] =	wrdreg $0xFFFFFFFF;
	(pc) =	sbr.abs _section_cstart, $3  }
0xbf: {  	[dreg:$0x1] =	wrdreg $0xFFFFFFFF  }
0xc0: {  	_ =	task.clear_ibuf [dreg:s6], $0x2FFFF;
	_ =	strace $0x9FFFFFFF  }
0xc1: {  	(tm) =	ssettm $0x7FFFFFFF  }
tec
execute0_lowered:
.L_overlay_start_1:
0x0: {  	(tag) =	ssettag $0x1  }
0x1: {  	s0 =	rddreg [dreg:$0x0]  }
0x2: {  	s2 =	srdreg.scid;
	s1 =	stileid.u32  }
0x3: {  	s14 =	simm.s32 $0x2;
	s15 =	simm.s32 $0x80;
	s16 =	simm.s32 $0x880  }
0x4: {  	s17 =	simm.s32 $0x1080;
	s18 =	simm.s32 $0x1880;
	s19 =	simm.s32 $0x2080  }
0x5: {  	s20 =	simm.s32 $0x2880;
	s21 =	simm.s32 $0x3080;
	s22 =	simm.s32 $0x3880  }
0x6: {  	s23 =	simm.s32 $0x4080;
	s24 =	simm.s32 $0x4880;
	s25 =	simm.s32 $0x5080  }
0x7: {  	s26 =	simm.s32 $0x5880;
	s28 =	simm.s32 $0x6080;
	s29 =	simm.s32 $0x6880  }
0x8: {  	s30 =	simm.s32 $0x7080;
	s31 =	simm.s32 $0x7880;
	s5 =	sand.u32 $0x1, s2  }
0x9: {  	s2 =	simm.s32 $0x0;
	s3 =	sshll.u32 s1, $0x6;
	s9 =	sadd.s32 $0x21700, s0  }
0xa: {  	s10 =	sadd.s32 $0x21800, s0;
	s11 =	sadd.s32 $0x21900, s0;
	s4 =	sshll.u32 s5, $0x5  }
0xb: {  	[smem:$0x7FF] =	sst s2;
	s5 =	ssub.s32 $0x2, s5;
	s6 =	sor.u32 s4, s3  }
0xc: {  	_ =	strace $0x80000047;
	s3 =	sadd.s32 $0x2200, s0;
	s4 =	sadd.s32 $0x21600, s0  }
0xd: {  	s8 =	sshrl.u32 s5, $0x1;
	s7 =	sshrl.u32 s6, $0x3;
	s6 =	sshll.u32 s6, $0x7  }
0xe: {  	s13 =	ssub.s32 s5, s8;
	s5 =	sadd.s32 $0x2300, s0;
	s7 =	sadd.s32 s7, s0  }
0xf: {  	v2 =	vlaneseq.u32;
	s12 =	sadd.s32 s6, s0;
	s6 =	sadd.s32 $0x2400, s0;
	s13 =	smax.u32 s13, $0x1  }
0x10: {  	vm0 =	vmmov $0xffff;
	v1 =	vshrl.u32 v2, $0x3;
	s7 =	sadd.s32 $0x40A00, s7;
	s8 =	sadd.s32 $0x40C00, s12;
	s12 =	sadd.s32 $0x60C00, s12  }
0x11: {  	v0 =	vand.u32 $0x7, v2;
	v2 =	vor.u32 $0x8, v2;
	v1 =	vmul.u32 $0x8, v1;
	[dreg:$0x2] =	wrdreg s7;
	s7 =	sadd.s32 $0x2500, s0;
	s0 =	simm.s32 $0x1  }
.LBB2_1:
0x12: {  	s1 =	rddreg [dreg:$0x2]  }
0x13: {  	[tilespmem:s2], [sflag:$0x2] =	stream.linear.gather [hbm4b:s1+s2], $0x20, $0x38;
	[tilespmem:$0x8080] =	vst v63  }
0x14: {  	_ =	swait.ge [sflag:s14], $0x20  }
0x15: {  	[sflag:s14] =	ssyncset.done $0x0  }
0x16: {  	[sflag:s14] =	ssyncadd.s32 $0xFFFFFFE0  }
0x17: {  	v3 =	vld [tilespmem:$0x0];
	_ =	sdelay $0x4  }
0x18: {  	v4 =	vshll.u32 v3, $0x3  }
0x19: {  	v3 =	vand.u32 $0x7, v3;
	v4 =	vand.u32 $0xFFFFFFC0, v4  }
0x1a: {  	v3 =	vor.u32 v3, v4  }
0x1b: {  	v4 =	vperm.xlane v3, v0;
	_ =	sdelay $0x1  }
0x1c: {  	v4 =	vadd.s32 v1, v4;
	_ =	sdelay $0x4  }
0x1d: {  	[tilespmem:s15], [sflag:$0x1] =	stream.indirect_vreg.gather [hbm4b:s3+s2], $0x80, v4, vm0, $0xb8;
	[tilespmem:$0x8080] =	vst v63  }
0x1e: {  	v3 =	vperm.xlane v3, v2  }
0x1f: {  	[tilespmem:s16], [sflag:$0x1] =	stream.indirect_vreg.gather [hbm4b:s5+s2], $0x80, v4, vm0, $0xb8;
	[tilespmem:$0x8080] =	vst v63  }
0x20: {  	v3 =	vadd.s32 v1, v3  }
0x21: {  	[tilespmem:s17], [sflag:$0x1] =	stream.indirect_vreg.gather [hbm4b:s6+s2], $0x80, v4, vm0, $0xb8;
	[tilespmem:$0x8080] =	vst v63  }
0x22: {  	_ = 	snop  }
0x23: {  	[tilespmem:s18], [sflag:$0x1] =	stream.indirect_vreg.gather [hbm4b:s7+s2], $0x80, v4, vm0, $0xb8;
	[tilespmem:$0x8080] =	vst v63  }
0x24: {  	_ = 	snop  }
0x25: {  	[tilespmem:s19], [sflag:$0x1] =	stream.indirect_vreg.gather [hbm4b:s3+s2], $0x80, v3, vm0, $0xb8;
	[tilespmem:$0x8080] =	vst v63  }
0x26: {  	_ = 	snop  }
0x27: {  	[tilespmem:s20], [sflag:$0x1] =	stream.indirect_vreg.gather [hbm4b:s5+s2], $0x80, v3, vm0, $0xb8;
	[tilespmem:$0x8080] =	vst v63  }
0x28: {  	_ = 	snop  }
0x29: {  	[tilespmem:s21], [sflag:$0x1] =	stream.indirect_vreg.gather [hbm4b:s6+s2], $0x80, v3, vm0, $0xb8;
	[tilespmem:$0x8080] =	vst v63  }
0x2a: {  	_ = 	snop  }
0x2b: {  	[tilespmem:s22], [sflag:$0x1] =	stream.indirect_vreg.gather [hbm4b:s7+s2], $0x80, v3, vm0, $0xb8;
	[tilespmem:$0x8080] =	vst v63  }
0x2c: {  	v3 =	vld [tilespmem:$0x10];
	_ =	sdelay $0x4  }
0x2d: {  	v61 =	vshll.u32 v3, $0x3  }
0x2e: {  	v3 =	vand.u32 $0x7, v3;
	v4 =	vand.u32 $0xFFFFFFC0, v61  }
0x2f: {  	v3 =	vor.u32 v3, v4  }
0x30: {  	v4 =	vperm.xlane v3, v0;
	_ =	sdelay $0x1  }
0x31: {  	v4 =	vadd.s32 v1, v4;
	_ =	sdelay $0x4  }
0x32: {  	[tilespmem:s23], [sflag:$0x1] =	stream.indirect_vreg.gather [hbm4b:s3+s2], $0x80, v4, vm0, $0xb8;
	[tilespmem:$0x8080] =	vst v63  }
0x33: {  	v3 =	vperm.xlane v3, v2  }
0x34: {  	[tilespmem:s24], [sflag:$0x1] =	stream.indirect_vreg.gather [hbm4b:s5+s2], $0x80, v4, vm0, $0xb8;
	[tilespmem:$0x8080] =	vst v63  }
0x35: {  	v3 =	vadd.s32 v1, v3  }
0x36: {  	[tilespmem:s25], [sflag:$0x1] =	stream.indirect_vreg.gather [hbm4b:s6+s2], $0x80, v4, vm0, $0xb8;
	[tilespmem:$0x8080] =	vst v63  }
0x37: {  	_ = 	snop  }
0x38: {  	[tilespmem:s26], [sflag:$0x1] =	stream.indirect_vreg.gather [hbm4b:s7+s2], $0x80, v4, vm0, $0xb8;
	[tilespmem:$0x8080] =	vst v63  }
0x39: {  	_ = 	snop  }
0x3a: {  	[tilespmem:s28], [sflag:$0x1] =	stream.indirect_vreg.gather [hbm4b:s3+s2], $0x80, v3, vm0, $0xb8;
	[tilespmem:$0x8080] =	vst v63  }
0x3b: {  	_ = 	snop  }
0x3c: {  	[tilespmem:s29], [sflag:$0x1] =	stream.indirect_vreg.gather [hbm4b:s5+s2], $0x80, v3, vm0, $0xb8;
	[tilespmem:$0x8080] =	vst v63  }
0x3d: {  	_ = 	snop  }
0x3e: {  	[tilespmem:s30], [sflag:$0x1] =	stream.indirect_vreg.gather [hbm4b:s6+s2], $0x80, v3, vm0, $0xb8;
	[tilespmem:$0x8080] =	vst v63  }
0x3f: {  	_ = 	snop  }
0x40: {  	[tilespmem:s31], [sflag:$0x1] =	stream.indirect_vreg.gather [hbm4b:s7+s2], $0x80, v3, vm0, $0xb8;
	[tilespmem:$0x8080] =	vst v63  }
0x41: {  	_ =	swait.ge [sflag:s0], $0x8000  }
0x42: {  	[sflag:s0] =	ssyncset.done $0x0  }
0x43: {  	[sflag:s0] =	ssyncadd.s32 $0xFFFF8000  }
0x44: {  	[hbm4b:s8+s2] =	stream.linear.scatter [tilespmem:s15], [sflag:$0x2], $0x8000, $0x38;
	[tilespmem:$0x8080] =	vst v63  }
0x45: {  	_ =	swait.ge [sflag:s14], $0x8000  }
0x46: {  	[sflag:s14] =	ssyncset.done $0x0  }
0x47: {  	[sflag:s14] =	ssyncadd.s32 $0xFFFF8000  }
0x48: {  	v3 =	vld [tilespmem:$0x0];
	_ =	sdelay $0x4  }
0x49: {  	v62 =	vshll.u32 v3, $0x3  }
0x4a: {  	v3 =	vand.u32 $0x7, v3;
	v4 =	vand.u32 $0xFFFFFFC0, v62  }
0x4b: {  	v3 =	vor.u32 v3, v4  }
0x4c: {  	v4 =	vperm.xlane v3, v0;
	_ =	sdelay $0x1  }
0x4d: {  	v4 =	vadd.s32 v1, v4;
	_ =	sdelay $0x4  }
0x4e: {  	[tilespmem:s15], [sflag:$0x1] =	stream.indirect_vreg.gather [hbm4b:s4+s2], $0x80, v4, vm0, $0xb8;
	[tilespmem:$0x8080] =	vst v63  }
0x4f: {  	v3 =	vperm.xlane v3, v2  }
0x50: {  	[tilespmem:s16], [sflag:$0x1] =	stream.indirect_vreg.gather [hbm4b:s9+s2], $0x80, v4, vm0, $0xb8;
	[tilespmem:$0x8080] =	vst v63  }
0x51: {  	v3 =	vadd.s32 v1, v3  }
0x52: {  	[tilespmem:s17], [sflag:$0x1] =	stream.indirect_vreg.gather [hbm4b:s10+s2], $0x80, v4, vm0, $0xb8;
	[tilespmem:$0x8080] =	vst v63  }
0x53: {  	_ = 	snop  }
0x54: {  	[tilespmem:s18], [sflag:$0x1] =	stream.indirect_vreg.gather [hbm4b:s11+s2], $0x80, v4, vm0, $0xb8;
	[tilespmem:$0x8080] =	vst v63  }
0x55: {  	_ = 	snop  }
0x56: {  	[tilespmem:s19], [sflag:$0x1] =	stream.indirect_vreg.gather [hbm4b:s4+s2], $0x80, v3, vm0, $0xb8;
	[tilespmem:$0x8080] =	vst v63  }
0x57: {  	_ = 	snop  }
0x58: {  	[tilespmem:s20], [sflag:$0x1] =	stream.indirect_vreg.gather [hbm4b:s9+s2], $0x80, v3, vm0, $0xb8;
	[tilespmem:$0x8080] =	vst v63  }
0x59: {  	_ = 	snop  }
0x5a: {  	[tilespmem:s21], [sflag:$0x1] =	stream.indirect_vreg.gather [hbm4b:s10+s2], $0x80, v3, vm0, $0xb8;
	[tilespmem:$0x8080] =	vst v63  }
0x5b: {  	_ = 	snop  }
0x5c: {  	[tilespmem:s22], [sflag:$0x1] =	stream.indirect_vreg.gather [hbm4b:s11+s2], $0x80, v3, vm0, $0xb8;
	[tilespmem:$0x8080] =	vst v63  }
0x5d: {  	v3 =	vld [tilespmem:$0x10];
	_ =	sdelay $0x4  }
0x5e: {  	v63 =	vshll.u32 v3, $0x3  }
0x5f: {  	v3 =	vand.u32 $0x7, v3;
	v4 =	vand.u32 $0xFFFFFFC0, v63  }
0x60: {  	v3 =	vor.u32 v3, v4  }
0x61: {  	v4 =	vperm.xlane v3, v0;
	_ =	sdelay $0x1  }
0x62: {  	v4 =	vadd.s32 v1, v4;
	_ =	sdelay $0x4  }
0x63: {  	[tilespmem:s23], [sflag:$0x1] =	stream.indirect_vreg.gather [hbm4b:s4+s2], $0x80, v4, vm0, $0xb8;
	[tilespmem:$0x8080] =	vst v63  }
0x64: {  	v3 =	vperm.xlane v3, v2  }
0x65: {  	[tilespmem:s24], [sflag:$0x1] =	stream.indirect_vreg.gather [hbm4b:s9+s2], $0x80, v4, vm0, $0xb8;
	[tilespmem:$0x8080] =	vst v63  }
0x66: {  	v3 =	vadd.s32 v1, v3  }
0x67: {  	[tilespmem:s25], [sflag:$0x1] =	stream.indirect_vreg.gather [hbm4b:s10+s2], $0x80, v4, vm0, $0xb8;
	[tilespmem:$0x8080] =	vst v63  }
0x68: {  	_ = 	snop  }
0x69: {  	[tilespmem:s26], [sflag:$0x1] =	stream.indirect_vreg.gather [hbm4b:s11+s2], $0x80, v4, vm0, $0xb8;
	[tilespmem:$0x8080] =	vst v63  }
0x6a: {  	_ = 	snop  }
0x6b: {  	[tilespmem:s28], [sflag:$0x1] =	stream.indirect_vreg.gather [hbm4b:s4+s2], $0x80, v3, vm0, $0xb8;
	[tilespmem:$0x8080] =	vst v63  }
0x6c: {  	_ = 	snop  }
0x6d: {  	[tilespmem:s29], [sflag:$0x1] =	stream.indirect_vreg.gather [hbm4b:s9+s2], $0x80, v3, vm0, $0xb8;
	[tilespmem:$0x8080] =	vst v63  }
0x6e: {  	_ = 	snop  }
0x6f: {  	[tilespmem:s30], [sflag:$0x1] =	stream.indirect_vreg.gather [hbm4b:s10+s2], $0x80, v3, vm0, $0xb8;
	[tilespmem:$0x8080] =	vst v63  }
0x70: {  	_ = 	snop  }
0x71: {  	[tilespmem:s31], [sflag:$0x1] =	stream.indirect_vreg.gather [hbm4b:s11+s2], $0x80, v3, vm0, $0xb8;
	[tilespmem:$0x8080] =	vst v63  }
0x72: {  	_ =	swait.ge [sflag:s0], $0x8000  }
0x73: {  	p0 =	sne.s32 s13, $0x1;
	[sflag:s0] =	ssyncset.done $0x0  }
.Ltmp0:
0x74: {  	[sflag:s0] =	ssyncadd.s32 $0xFFFF8000;
	(pc) =	sbr.rel @p0 .LBB2_1-.Ltmp0, $4  }
0x75: {  	[hbm4b:s12+s2] =	stream.linear.scatter [tilespmem:s15], [sflag:$0x2], $0x8000, $0x38;
	[tilespmem:$0x8080] =	vst v63  }
0x76: {  	_ =	swait.ge [sflag:s14], $0x8000  }
0x77: {  	[sflag:s14] =	ssyncset.done $0x0  }
0x78: {  	s13 =	sadd.s32 $0xFFFFFFFF, s13;
	[sflag:s14] =	ssyncadd.s32 $0xFFFF8000  }
0x79: {  	_ =	sfence.sel $0x180000  }
0x7a: {  	[bflag:$0x0] =	sbarrier.arrive $0xFFFF  }
0x7b: {  	_ =	strace $0x90000047  }
0x7c: {  	s0 =	stileid.u32;
	[bflag:$0x2] =	sbarrier.arrive $0xFFFF  }
0x7d: {  	p0 =	sne.s32 s0, $0x0;
	s0 =	rddreg [dreg:$0x1]  }
0x7e: {  	s0 =	sadd.s32 @!p0 $0x100000, s0  }
0x7f: {  	[sflag:s0] =	ssyncadd.tile.s32 @!p0 $0x1;
	_ =	shalt  }
.Lfunc_end2:
_tile_overlayer_lowered:
.L_overlay_start_2:
0x80: {  	(tag) =	ssettag $0x2  }
0x81: {  	s0 =	rddreg [dreg:$0x0];
	s2 =	stileid.u32  }
0x82: {  	s1 =	rddreg [dreg:$0x1];
	p0 =	sne.s32 s2, $0x0  }
0x83: {  	s3 =	rddreg [dreg:$0x2];
	[bflag:$0x3] =	sbarrier.arrive $0xFFFF;
	s2 =	simm.s32 @!p0 $0x1C02  }
0x84: {  	[timem:s3], [sflag:s2] =	dma.local @!p0 [hbm:s0], s1  }
0x85: {  	s0 =	simm.s32 @!p0 $0x2  }
0x86: {  	_ =	swait.ge @!p0 [sflag:s0], s1  }
0x87: {  	s1 =	ssub.s32 @!p0 $0x0, s1;
	[sflag:s0] =	ssyncset.done @!p0 $0x0  }
0x88: {  	[sflag:s0] =	ssyncadd.s32 @!p0 s1  }
0x89: {  	[bflag:$0x3] =	sbarrier.arrive $0xFFFF  }
0x8a: {  	_ =	shalt  }

// kernel: kernel.14.cloned.1.call-start
scs
__scs_entry_jumppad:
0x0: {  	(pc) =	sbr.rel $0x88, $3  }
0x1: {  	(tag) =	ssettag $0x0;
	lr =	simm.s32 $0x1  }
0x2: {  	[smem:$0x3F9B] =	sst lr;
	_ =	strace $0xD0000000  }
0x3: {  	_ = 	snop  }
0x4: {  	_ = 	snop  }
0x5: {  	_ = 	snop  }
0x6: {  	_ = 	snop  }
0x7: {  	_ = 	snop  }
__scs_overlays_trampoline_lowered:
0x8: {  	[smem:$0x3FAA] =	sst s0  }
0x9: {  	[smem:$0x3FAB] =	sst s1  }
0xa: {  	[smem:$0x3FAC] =	sst s2  }
0xb: {  	[smem:$0x3FAD] =	sst s3  }
0xc: {  	[smem:$0x3FAE] =	sst s4  }
0xd: {  	[smem:$0x3FAF] =	sst s5  }
0xe: {  	[smem:$0x3FB0] =	sst s6  }
0xf: {  	[smem:$0x3FB1] =	sst s7  }
0x10: {  	[smem:$0x3FB2] =	sst s8  }
0x11: {  	[smem:$0x3FB3] =	sst s9;
	s0 =	simm.s32 @!p0 $0x0  }
0x12: {  	s1 =	sld [smem:$0x3F99];
	s0 =	simm.s32 @p0 $0x1  }
0x13: {  	[smem:$0x3FB4] =	sst s0;
	s0 =	simm.s32 @!p1 $0x0  }
0x14: {  	s2 =	sld [smem:$0x3F98];
	s0 =	simm.s32 @p1 $0x1  }
0x15: {  	[smem:$0x3FB5] =	sst s0;
	s0 =	simm.s32 @!p2 $0x0  }
0x16: {  	s3 =	sld [smem:$0x3FDB];
	s0 =	simm.s32 @p2 $0x1  }
0x17: {  	s4 =	simm.s32 $0x1BF5;
	[smem:$0x3FB7] =	sst s0  }
0x18: {  	s0 =	sld [smem:$0x3F9A];
	_ =	swait.ge [sflag:s4], $0x0  }
0x19: {  	s7 =	sld [smem:$0x3F9B]  }
0x1a: {  	s8 =	sadd.s32 $0xFFFFE003, lr  }
0x1b: {  	s9 =	sadd.s32 $0xFFFFFEF7, lr;
	s5 =	simm.s32 $0xFFFFFFFF;
	p2 =	slt.u32 s8, $0xFFFFF086  }
0x1c: {  	p1 =	slt.u32 s9, $0xF7A;
	s5 =	simm.s32 @!p2 $0x0  }
0x1d: {  	s5 =	simm.s32 @p1 $0x1;
	p0 =	seq.s32 s7, s2  }
0x1e: {  	s7 =	smul.u32 @!p0 $0xF7A, s2;
	p2 =	seq.s32 @!p0 s5, $0x0  }
0x1f: {  	s9 =	smul.u32 $0xF7A, s1;
	s8 =	simm.s32 @!p0 $0x1BF5;
	p2 =	por !p2, p0  }
0x20: {  	[sflag:s8] =	ssyncset.s32 @!p0 $0xFFFFF086;
	s6 =	sadd.s32 @!p0 s3, s7;
	s7 =	simm.s32 @!p0 $0x108  }
0x21: {  	s3 =	sadd.s32 s3, s9;
	s6 =	sadd.s32 @!p0 $0x88, s6;
	s7 =	simm.s32 @p2 $0x1082  }
0x22: {  	[simem:s7], [sflag:s8] =	dma.local @!p0 [hbm:s6], $0xF7A  }
0x23: {  	s9 =	sor.u32 $0xD0000000, s2;
	s6 =	simm.s32 $0x108;
	_ =	swait.ge @!p0 [sflag:s8], $0x0  }
0x24: {  	s3 =	sadd.s32 $0x88, s3;
	s6 =	simm.s32 @!p1 $0x1082;
	[sflag:s4] =	ssyncset.s32 $0xFFFFF086  }
0x25: {  	[simem:s6], [sflag:s4] =	dma.local [hbm:s3], $0xF7A  }
0x26: {  	[smem:$0x3F9B] =	sst s1;
	(tag) =	ssettag s2;
	_ =	strace s9  }
0x27: {  	s1 =	sld [smem:$0x3FAB]  }
0x28: {  	s2 =	sld [smem:$0x3FAC]  }
0x29: {  	s4 =	sld [smem:$0x3FAE]  }
0x2a: {  	p0 =	seq.s32 s5, $0x0;
	s5 =	sld [smem:$0x3FAF]  }
0x2b: {  	s6 =	sld [smem:$0x3FB0]  }
0x2c: {  	s7 =	sld [smem:$0x3FB1]  }
0x2d: {  	s3 =	simm.s32 $0x108;
	s8 =	sld [smem:$0x3FB2]  }
0x2e: {  	s3 =	simm.s32 @!p0 $0x1082;
	s9 =	sld [smem:$0x3FB3]  }
0x2f: {  	lr =	sadd.s32 s0, s3;
	s0 =	sld [smem:$0x3FAA]  }
0x30: {  	s3 =	sld [smem:$0x3FAD]  }
0x31: {  	[smem:$0x3FB6] =	sst s10  }
0x32: {  	s10 =	sld [smem:$0x3FB4];
	_ =	sdelay $0x3  }
0x33: {  	p0 =	seq.s32 s10, $0x1;
	s10 =	sld [smem:$0x3FB6];
	_ =	sdelay $0x3  }
0x34: {  	[smem:$0x3FB6] =	sst s10  }
0x35: {  	s10 =	sld [smem:$0x3FB5];
	_ =	sdelay $0x3  }
0x36: {  	p1 =	seq.s32 s10, $0x1;
	s10 =	sld [smem:$0x3FB6];
	_ =	sdelay $0x3  }
0x37: {  	[smem:$0x3FB6] =	sst s10  }
0x38: {  	s10 =	sld [smem:$0x3FB7]  }
0x39: {  	_ = 	snop;
	(pc) =	sbr.ind lr, $3  }
0x3a: {  	_ = 	snop  }
0x3b: {  	_ = 	snop  }
0x3c: {  	p2 =	seq.s32 s10, $0x1;
	s10 =	sld [smem:$0x3FB6]  }
0x3d: {  	_ =	shalt  }
0x3e: {  	_ =	shalt  }
0x3f: {  	_ =	shalt  }
0x40: {  	_ =	shalt  }
0x41: {  	_ =	shalt  }
0x42: {  	_ =	shalt  }
0x43: {  	_ =	shalt  }
0x44: {  	_ =	shalt  }
0x45: {  	_ =	shalt  }
0x46: {  	_ =	shalt  }
0x47: {  	_ =	shalt  }
0x48: {  	_ =	shalt  }
0x49: {  	_ =	shalt  }
0x4a: {  	_ =	shalt  }
0x4b: {  	_ =	shalt  }
0x4c: {  	_ =	shalt  }
0x4d: {  	_ =	shalt  }
0x4e: {  	_ =	shalt  }
0x4f: {  	_ =	shalt  }
0x50: {  	_ =	shalt  }
0x51: {  	_ =	shalt  }
0x52: {  	_ =	shalt  }
0x53: {  	_ =	shalt  }
0x54: {  	_ =	shalt  }
0x55: {  	_ =	shalt  }
0x56: {  	_ =	shalt  }
0x57: {  	_ =	shalt  }
0x58: {  	_ =	shalt  }
0x59: {  	_ =	shalt  }
0x5a: {  	_ =	shalt  }
0x5b: {  	_ =	shalt  }
0x5c: {  	_ =	shalt  }
0x5d: {  	_ =	shalt  }
0x5e: {  	_ =	shalt  }
0x5f: {  	_ =	shalt  }
0x60: {  	_ =	shalt  }
0x61: {  	_ =	shalt  }
0x62: {  	_ =	shalt  }
0x63: {  	_ =	shalt  }
0x64: {  	_ =	shalt  }
0x65: {  	_ =	shalt  }
0x66: {  	_ =	shalt  }
0x67: {  	_ =	shalt  }
0x68: {  	_ =	shalt  }
0x69: {  	_ =	shalt  }
0x6a: {  	_ =	shalt  }
0x6b: {  	_ =	shalt  }
0x6c: {  	_ =	shalt  }
0x6d: {  	_ =	shalt  }
0x6e: {  	_ =	shalt  }
0x6f: {  	_ =	shalt  }
0x70: {  	_ =	shalt  }
0x71: {  	_ =	shalt  }
0x72: {  	_ =	shalt  }
0x73: {  	_ =	shalt  }
0x74: {  	_ =	shalt  }
0x75: {  	_ =	shalt  }
0x76: {  	_ =	shalt  }
0x77: {  	_ =	shalt  }
0x78: {  	_ =	shalt  }
0x79: {  	_ =	shalt  }
0x7a: {  	_ =	shalt  }
0x7b: {  	_ =	shalt  }
0x7c: {  	_ =	shalt  }
0x7d: {  	_ =	shalt  }
0x7e: {  	_ =	shalt  }
0x7f: {  	_ =	shalt  }
0x80: {  	_ =	shalt  }
0x81: {  	_ =	shalt  }
0x82: {  	_ =	shalt  }
0x83: {  	_ =	shalt  }
0x84: {  	_ =	shalt  }
0x85: {  	_ =	shalt  }
0x86: {  	_ =	shalt  }
0x87: {  	_ =	shalt  }
.Lfunc_end0:
.L_simem_size_0:
called_computation.1_lowered:
.L_overlay_start_0:
0x88: {  	s2 =	sld [smem:$0x3FD9]  }
0x89: {  	s3 =	sld [smem:$0x3FFE];
	_ =	sdelay $0x1  }
0x8a: {  	s1 =	srdreg.scid  }
0x8b: {  	s0 =	sand.u32 $0x1, s1  }
0x8c: {  	s16 =	sshll.u32 s0, $0xA;
	s2 =	sadd.s32 s3, s2  }
0x8d: {  	s2 =	sadd.s32 s2, s16  }
0x8e: {  	[smem:$0x3FC2] =	sst s2  }
0x8f: {  	_ = 	snop  }
0x90: {  	(tm) =	ssettm $0x1  }
0x91: {  	s17 =	sld [smem:$0x3FFB];
	_ =	sdelay $0x3  }
0x92: {  	_ =	strace s17  }
0x93: {  	s2 =	sld [smem:$0x3FFC];
	_ =	sdelay $0x3  }
0x94: {  	_ =	strace s2  }
0x95: {  	s2 =	sld [smem:$0x3FFD];
	_ =	sdelay $0x3  }
0x96: {  	_ =	strace s2  }
0x97: {  	_ =	strace $0x8FFFFFFF  }
0x98: {  	s18 =	sld [smem:$0x3FDB];
	_ =	sdelay $0x1  }
0x99: {  	s19 =	simm.s32 $_scs_section_size  }
0x9a: {  	s4 =	simm.s32 $_size__tile_overlayer_lowered;
	s5 =	simm.s32 $_tile_overlayer_lowered  }
0x9b: {  	s22 =	simm.s32 $0x1BFF;
	s21 =	sshll.u32 s5, $0x1;
	s2 =	sadd.s32 s19, s18  }
0x9c: {  	s6 =	simm.s32 $0x0;
	s20 =	sshll.u32 s4, $0x1;
	s4 =	sadd.s32 s21, s2  }
0x9d: {  	[timem:s6], [sflag:s22] =	dma.local [hbm:s4], s20  }
0x9e: {  	_ =	swait.ge [sflag:s22], s20  }
0x9f: {  	s3 =	ssub.s32 $0x0, s20;
	[sflag:s22] =	ssyncset.done $0x0  }
0xa0: {  	[sflag:s22] =	ssyncadd.s32 s3;
	_ =	sdelay $0x1  }
0xa1: {  	s23 =	simm.s32 $0x1B8B  }
0xa2: {  	_ =	swait.ge [sflag:s23], $0x1  }
0xa3: {  	[sflag:s23] =	ssyncset.done $0x0  }
0xa4: {  	s25 =	simm.s32 $0x1B8E;
	s24 =	sld [smem:$0x3FFE];
	[sflag:s23] =	ssyncadd.s32 $0xFFFFFFFF  }
0xa5: {  	s26 =	simm.s32 $execute0_lowered;
	[smem:$0x3FD2] =	sst s25  }
0xa6: {  	s4 =	sshll.u32 s26, $0x1;
	_ =	strace $0x80000049;
	[dreg:$0x1] =	wrdreg $0xFFFFFFFF  }
0xa7: {  	s28 =	simm.s32 $_size_execute0_lowered;
	s2 =	sadd.s32 s2, s4;
	[dreg:$0x0] =	wrdreg $0x0  }
0xa8: {  	s4 =	sshll.u32 s28, $0x1;
	[dreg:$0x2] =	wrdreg s2  }
0xa9: {  	[dreg:$0x3] =	wrdreg s4  }
0xaa: {  	[dreg:$0x4] =	wrdreg $0xC0  }
0xab: {  	_ =	task [dreg:s6], $0x5FFFF  }
0xac: {  	[dreg:$0x1] =	wrdreg $0xFFFFFFFF  }
0xad: {  	[dreg:$0x0] =	wrdreg $0x60  }
0xae: {  	[dreg:$0x2] =	wrdreg s24  }
0xaf: {  	[dreg:$0x3] =	wrdreg $0x9  }
0xb0: {  	_ =	task.clear_ibuf [dreg:s6], $0x4FFFF;
	_ =	strace $0x90000049  }
0xb1: {  	s29 =	simm.s32 $0x9;
	_ =	strace $0x8000004B  }
0xb2: {  	_ =	swait.ge [sflag:s29], $0x1  }
0xb3: {  	[sflag:s29] =	ssyncadd.s32 $0xFFFFFFFF  }
0xb4: {  	_ =	strace $0x9000004B  }
0xb5: {  	_ =	sfence  }
0xb6: {  	s30 =	sld [smem:$0x0];
	_ =	sdelay $0x2  }
0xb7: {  	s31 =	sshll.u32 s1, $0xD;
	s1 =	sshrl.u32 s1, $0x2  }
0xb8: {  	s3 =	sand.u32 $0x4000, s31;
	s1 =	sadd.s32 s1, s30  }
0xb9: {  	s0 =	sor.u32 s3, s0;
	s1 =	sshll.u32 s1, $0x11  }
0xba: {  	s0 =	sor.u32 s1, s0  }
0xbb: {  	s0 =	sadd.s32 $0x8F2B, s0  }
0xbc: {  	[sflag:s0] =	ssyncadd.remote.s32 $0x1  }
0xbd: {  	_ =	sfence.sel $0xFFFF  }
0xbe: {  	[dreg:$0x0] =	wrdreg $0xFFFFFFFF;
	(pc) =	sbr.abs _section_cstart, $3  }
0xbf: {  	[dreg:$0x1] =	wrdreg $0xFFFFFFFF  }
0xc0: {  	_ =	task.clear_ibuf [dreg:s6], $0x2FFFF;
	_ =	strace $0x9FFFFFFF  }
0xc1: {  	(tm) =	ssettm $0x7FFFFFFF  }
tec
execute0_lowered:
.L_overlay_start_1:
0x0: {  	(tag) =	ssettag $0x1  }
0x1: {  	s1 =	srdreg.scid  }
0x2: {  	s0 =	stileid.u32;
	s24 =	sand.u32 $0x1, s1  }
0x3: {  	s30 =	sshll.u32 s0, $0xB;
	s2 =	sshll.u32 s24, $0xA  }
0x4: {  	s10 =	rddreg [dreg:$0x0];
	s11 =	sor.u32 s2, s30  }
0x5: {  	s1 =	rddreg [dreg:$0x1];
	s2 =	simm.s32 $0x0;
	s3 =	sshrl.u32 s11, $0x3  }
0x6: {  	[smem:$0x7FF] =	sst s2;
	s3 =	sadd.s32 s3, s10  }
0x7: {  	_ =	strace $0x8000004A;
	s4 =	sadd.s32 $0x2200, s3;
	s3 =	simm.s32 $0x3  }
0x8: {  	[tilespmem:s2], [sflag:$0x3] =	stream.linear.gather [hbm4b:s4+s2], $0x400, $0x38;
	[tilespmem:$0x8400] =	vst v63  }
0x9: {  	_ =	swait.ge [sflag:s3], $0x400  }
0xa: {  	s6 =	simm.s32 $0x80;
	[sflag:s3] =	ssyncset.done $0x0  }
0xb: {  	s7 =	simm.s32 $0x400;
	s5 =	sadd.s32 $0x480C00, s10;
	[sflag:s3] =	ssyncadd.s32 $0xFFFFFC00  }
0xc: {  	[tilespmem:s7], [sflag:$0x1] =	stream.indirect.gather [hbm4b:s5+s6], $0x80, s2, s6, $0xb8;
	[tilespmem:$0x8400] =	vst v63  }
0xd: {  	s8 =	simm.s32 $0x4400;
	s9 =	simm.s32 $0x1  }
0xe: {  	[tilespmem:s8], [sflag:$0x2] =	stream.indirect.gather [hbm4b:s5+s6], $0x80, s6, s6, $0xb8;
	[tilespmem:$0x8400] =	vst v63  }
0xf: {  	s11 =	sshll.u32 s11, $0x4;
	_ =	swait.ge [sflag:s9], $0x4000  }
0x10: {  	s25 =	sadd.s32 s11, s10;
	[sflag:s9] =	ssyncset.done $0x0  }
0x11: {  	s10 =	sadd.s32 $0x80C00, s25;
	[sflag:s9] =	ssyncadd.s32 $0xFFFFC000  }
0x12: {  	[hbm4b:s10+s2] =	stream.linear.scatter [tilespmem:s7], [sflag:$0x3], $0x4000, $0x38;
	[tilespmem:$0x8400] =	vst v63  }
0x13: {  	_ =	swait.ge [sflag:s3], $0x4000  }
0x14: {  	[sflag:s3] =	ssyncset.done $0x0  }
0x15: {  	s12 =	simm.s32 $0x2;
	s11 =	simm.s32 $0x100;
	[sflag:s3] =	ssyncadd.s32 $0xFFFFC000  }
0x16: {  	[tilespmem:s7], [sflag:$0x1] =	stream.indirect.gather [hbm4b:s5+s6], $0x80, s11, s6, $0xb8;
	[tilespmem:$0x8400] =	vst v63  }
0x17: {  	_ =	swait.ge [sflag:s12], $0x4000  }
0x18: {  	[sflag:s12] =	ssyncset.done $0x0  }
0x19: {  	s13 =	sadd.s32 $0x81400, s25;
	[sflag:s12] =	ssyncadd.s32 $0xFFFFC000  }
0x1a: {  	[hbm4b:s13+s2] =	stream.linear.scatter [tilespmem:s8], [sflag:$0x3], $0x4000, $0x38;
	[tilespmem:$0x8400] =	vst v63  }
0x1b: {  	_ =	swait.ge [sflag:s3], $0x4000  }
0x1c: {  	[sflag:s3] =	ssyncset.done $0x0  }
0x1d: {  	s14 =	simm.s32 $0x180;
	[sflag:s3] =	ssyncadd.s32 $0xFFFFC000  }
0x1e: {  	[tilespmem:s8], [sflag:$0x2] =	stream.indirect.gather [hbm4b:s5+s6], $0x80, s14, s6, $0xb8;
	[tilespmem:$0x8400] =	vst v63  }
0x1f: {  	_ =	swait.ge [sflag:s9], $0x4000  }
0x20: {  	[sflag:s9] =	ssyncset.done $0x0  }
0x21: {  	s15 =	sadd.s32 $0x81C00, s25;
	[sflag:s9] =	ssyncadd.s32 $0xFFFFC000  }
0x22: {  	[hbm4b:s15+s2] =	stream.linear.scatter [tilespmem:s7], [sflag:$0x3], $0x4000, $0x38;
	[tilespmem:$0x8400] =	vst v63  }
0x23: {  	_ =	swait.ge [sflag:s3], $0x4000  }
0x24: {  	[sflag:s3] =	ssyncset.done $0x0  }
0x25: {  	s16 =	simm.s32 $0x200;
	[sflag:s3] =	ssyncadd.s32 $0xFFFFC000  }
0x26: {  	[tilespmem:s7], [sflag:$0x1] =	stream.indirect.gather [hbm4b:s5+s6], $0x80, s16, s6, $0xb8;
	[tilespmem:$0x8400] =	vst v63  }
0x27: {  	_ =	swait.ge [sflag:s12], $0x4000  }
0x28: {  	[sflag:s12] =	ssyncset.done $0x0  }
0x29: {  	s17 =	sadd.s32 $0x82400, s25;
	[sflag:s12] =	ssyncadd.s32 $0xFFFFC000  }
0x2a: {  	[hbm4b:s17+s2] =	stream.linear.scatter [tilespmem:s8], [sflag:$0x3], $0x4000, $0x38;
	[tilespmem:$0x8400] =	vst v63  }
0x2b: {  	_ =	swait.ge [sflag:s3], $0x4000  }
0x2c: {  	[sflag:s3] =	ssyncset.done $0x0  }
0x2d: {  	s18 =	simm.s32 $0x280;
	[sflag:s3] =	ssyncadd.s32 $0xFFFFC000  }
0x2e: {  	[tilespmem:s8], [sflag:$0x2] =	stream.indirect.gather [hbm4b:s5+s6], $0x80, s18, s6, $0xb8;
	[tilespmem:$0x8400] =	vst v63  }
0x2f: {  	_ =	swait.ge [sflag:s9], $0x4000  }
0x30: {  	[sflag:s9] =	ssyncset.done $0x0  }
0x31: {  	s19 =	sadd.s32 $0x82C00, s25;
	[sflag:s9] =	ssyncadd.s32 $0xFFFFC000  }
0x32: {  	[hbm4b:s19+s2] =	stream.linear.scatter [tilespmem:s7], [sflag:$0x3], $0x4000, $0x38;
	[tilespmem:$0x8400] =	vst v63  }
0x33: {  	_ =	swait.ge [sflag:s3], $0x4000  }
0x34: {  	[sflag:s3] =	ssyncset.done $0x0  }
0x35: {  	s20 =	simm.s32 $0x300;
	[sflag:s3] =	ssyncadd.s32 $0xFFFFC000  }
0x36: {  	[tilespmem:s7], [sflag:$0x1] =	stream.indirect.gather [hbm4b:s5+s6], $0x80, s20, s6, $0xb8;
	[tilespmem:$0x8400] =	vst v63  }
0x37: {  	_ =	swait.ge [sflag:s12], $0x4000  }
0x38: {  	[sflag:s12] =	ssyncset.done $0x0  }
0x39: {  	s21 =	sadd.s32 $0x83400, s25;
	[sflag:s12] =	ssyncadd.s32 $0xFFFFC000  }
0x3a: {  	[hbm4b:s21+s2] =	stream.linear.scatter [tilespmem:s8], [sflag:$0x3], $0x4000, $0x38;
	[tilespmem:$0x8400] =	vst v63  }
0x3b: {  	_ =	swait.ge [sflag:s3], $0x4000  }
0x3c: {  	[sflag:s3] =	ssyncset.done $0x0  }
0x3d: {  	s22 =	simm.s32 $0x380;
	[sflag:s3] =	ssyncadd.s32 $0xFFFFC000  }
0x3e: {  	[tilespmem:s8], [sflag:$0x2] =	stream.indirect.gather [hbm4b:s5+s6], $0x80, s22, s6, $0xb8;
	[tilespmem:$0x8400] =	vst v63  }
0x3f: {  	_ =	swait.ge [sflag:s9], $0x4000  }
0x40: {  	[sflag:s9] =	ssyncset.done $0x0  }
0x41: {  	s24 =	ssub.s32 $0x2, s24;
	s23 =	sadd.s32 $0x83C00, s25;
	[sflag:s9] =	ssyncadd.s32 $0xFFFFC000  }
0x42: {  	[hbm4b:s23+s2] =	stream.linear.scatter [tilespmem:s7], [sflag:$0x3], $0x4000, $0x38;
	[tilespmem:$0x8400] =	vst v63  }
0x43: {  	s26 =	sshrl.u32 s24, $0x1;
	_ =	swait.ge [sflag:s3], $0x4000  }
0x44: {  	s26 =	ssub.s32 s24, s26;
	[sflag:s3] =	ssyncset.done $0x0  }
0x45: {  	s31 =	smax.u32 s26, $0x1;
	[sflag:s3] =	ssyncadd.s32 $0xFFFFC000  }
0x46: {  	p0 =	sne.s32 s31, $0x1;
	_ =	swait.ge [sflag:s12], $0x4000  }
.Ltmp0:
0x47: {  	[sflag:s12] =	ssyncset.done $0x0;
	(pc) =	sbr.rel @!p0 .LBB2_2-.Ltmp0, $4  }
0x48: {  	s24 =	sadd.s32 $0x84400, s25;
	[sflag:s12] =	ssyncadd.s32 $0xFFFFC000  }
0x49: {  	[hbm4b:s24+s2] =	stream.linear.scatter [tilespmem:s8], [sflag:$0x3], $0x4000, $0x38;
	[tilespmem:$0x8400] =	vst v63  }
0x4a: {  	_ =	swait.ge [sflag:s3], $0x4000  }
0x4b: {  	s25 =	sadd.s32 $0xFFFFFFFF, s31;
	[sflag:s3] =	ssyncset.done $0x0  }
.LBB2_1:
0x4c: {  	p0 =	sne.s32 s25, $0x1;
	s25 =	sadd.s32 $0xFFFFFFFF, s25;
	[sflag:s3] =	ssyncadd.s32 $0xFFFFC000  }
0x4d: {  	[tilespmem:s2], [sflag:$0x3] =	stream.linear.gather [hbm4b:s4+s2], $0x400, $0x38;
	[tilespmem:$0x8400] =	vst v63  }
0x4e: {  	_ =	swait.ge [sflag:s3], $0x400  }
0x4f: {  	[sflag:s3] =	ssyncset.done $0x0  }
0x50: {  	[sflag:s3] =	ssyncadd.s32 $0xFFFFFC00  }
0x51: {  	[tilespmem:s7], [sflag:$0x1] =	stream.indirect.gather [hbm4b:s5+s6], $0x80, s2, s6, $0xb8;
	[tilespmem:$0x8400] =	vst v63  }
0x52: {  	_ = 	snop  }
0x53: {  	[tilespmem:s8], [sflag:$0x2] =	stream.indirect.gather [hbm4b:s5+s6], $0x80, s6, s6, $0xb8;
	[tilespmem:$0x8400] =	vst v63  }
0x54: {  	_ =	swait.ge [sflag:s9], $0x4000  }
0x55: {  	[sflag:s9] =	ssyncset.done $0x0  }
0x56: {  	[sflag:s9] =	ssyncadd.s32 $0xFFFFC000  }
0x57: {  	[hbm4b:s10+s2] =	stream.linear.scatter [tilespmem:s7], [sflag:$0x3], $0x4000, $0x38;
	[tilespmem:$0x8400] =	vst v63  }
0x58: {  	_ =	swait.ge [sflag:s3], $0x4000  }
0x59: {  	[sflag:s3] =	ssyncset.done $0x0  }
0x5a: {  	[sflag:s3] =	ssyncadd.s32 $0xFFFFC000  }
0x5b: {  	[tilespmem:s7], [sflag:$0x1] =	stream.indirect.gather [hbm4b:s5+s6], $0x80, s11, s6, $0xb8;
	[tilespmem:$0x8400] =	vst v63  }
0x5c: {  	_ =	swait.ge [sflag:s12], $0x4000  }
0x5d: {  	[sflag:s12] =	ssyncset.done $0x0  }
0x5e: {  	[sflag:s12] =	ssyncadd.s32 $0xFFFFC000  }
0x5f: {  	[hbm4b:s13+s2] =	stream.linear.scatter [tilespmem:s8], [sflag:$0x3], $0x4000, $0x38;
	[tilespmem:$0x8400] =	vst v63  }
0x60: {  	_ =	swait.ge [sflag:s3], $0x4000  }
0x61: {  	[sflag:s3] =	ssyncset.done $0x0  }
0x62: {  	[sflag:s3] =	ssyncadd.s32 $0xFFFFC000  }
0x63: {  	[tilespmem:s8], [sflag:$0x2] =	stream.indirect.gather [hbm4b:s5+s6], $0x80, s14, s6, $0xb8;
	[tilespmem:$0x8400] =	vst v63  }
0x64: {  	_ =	swait.ge [sflag:s9], $0x4000  }
0x65: {  	[sflag:s9] =	ssyncset.done $0x0  }
0x66: {  	[sflag:s9] =	ssyncadd.s32 $0xFFFFC000  }
0x67: {  	[hbm4b:s15+s2] =	stream.linear.scatter [tilespmem:s7], [sflag:$0x3], $0x4000, $0x38;
	[tilespmem:$0x8400] =	vst v63  }
0x68: {  	_ =	swait.ge [sflag:s3], $0x4000  }
0x69: {  	[sflag:s3] =	ssyncset.done $0x0  }
0x6a: {  	[sflag:s3] =	ssyncadd.s32 $0xFFFFC000  }
0x6b: {  	[tilespmem:s7], [sflag:$0x1] =	stream.indirect.gather [hbm4b:s5+s6], $0x80, s16, s6, $0xb8;
	[tilespmem:$0x8400] =	vst v63  }
0x6c: {  	_ =	swait.ge [sflag:s12], $0x4000  }
0x6d: {  	[sflag:s12] =	ssyncset.done $0x0  }
0x6e: {  	[sflag:s12] =	ssyncadd.s32 $0xFFFFC000  }
0x6f: {  	[hbm4b:s17+s2] =	stream.linear.scatter [tilespmem:s8], [sflag:$0x3], $0x4000, $0x38;
	[tilespmem:$0x8400] =	vst v63  }
0x70: {  	_ =	swait.ge [sflag:s3], $0x4000  }
0x71: {  	[sflag:s3] =	ssyncset.done $0x0  }
0x72: {  	[sflag:s3] =	ssyncadd.s32 $0xFFFFC000  }
0x73: {  	[tilespmem:s8], [sflag:$0x2] =	stream.indirect.gather [hbm4b:s5+s6], $0x80, s18, s6, $0xb8;
	[tilespmem:$0x8400] =	vst v63  }
0x74: {  	_ =	swait.ge [sflag:s9], $0x4000  }
0x75: {  	[sflag:s9] =	ssyncset.done $0x0  }
0x76: {  	[sflag:s9] =	ssyncadd.s32 $0xFFFFC000  }
0x77: {  	[hbm4b:s19+s2] =	stream.linear.scatter [tilespmem:s7], [sflag:$0x3], $0x4000, $0x38;
	[tilespmem:$0x8400] =	vst v63  }
0x78: {  	_ =	swait.ge [sflag:s3], $0x4000  }
0x79: {  	[sflag:s3] =	ssyncset.done $0x0  }
0x7a: {  	[sflag:s3] =	ssyncadd.s32 $0xFFFFC000  }
0x7b: {  	[tilespmem:s7], [sflag:$0x1] =	stream.indirect.gather [hbm4b:s5+s6], $0x80, s20, s6, $0xb8;
	[tilespmem:$0x8400] =	vst v63  }
0x7c: {  	_ =	swait.ge [sflag:s12], $0x4000  }
0x7d: {  	[sflag:s12] =	ssyncset.done $0x0  }
0x7e: {  	[sflag:s12] =	ssyncadd.s32 $0xFFFFC000  }
0x7f: {  	[hbm4b:s21+s2] =	stream.linear.scatter [tilespmem:s8], [sflag:$0x3], $0x4000, $0x38;
	[tilespmem:$0x8400] =	vst v63  }
0x80: {  	_ =	swait.ge [sflag:s3], $0x4000  }
0x81: {  	[sflag:s3] =	ssyncset.done $0x0  }
0x82: {  	[sflag:s3] =	ssyncadd.s32 $0xFFFFC000  }
0x83: {  	[tilespmem:s8], [sflag:$0x2] =	stream.indirect.gather [hbm4b:s5+s6], $0x80, s22, s6, $0xb8;
	[tilespmem:$0x8400] =	vst v63  }
0x84: {  	_ =	swait.ge [sflag:s9], $0x4000  }
0x85: {  	[sflag:s9] =	ssyncset.done $0x0  }
0x86: {  	[sflag:s9] =	ssyncadd.s32 $0xFFFFC000  }
0x87: {  	[hbm4b:s23+s2] =	stream.linear.scatter [tilespmem:s7], [sflag:$0x3], $0x4000, $0x38;
	[tilespmem:$0x8400] =	vst v63  }
0x88: {  	_ =	swait.ge [sflag:s3], $0x4000  }
0x89: {  	[sflag:s3] =	ssyncset.done $0x0  }
0x8a: {  	[sflag:s3] =	ssyncadd.s32 $0xFFFFC000  }
0x8b: {  	_ =	swait.ge [sflag:s12], $0x4000  }
.Ltmp1:
0x8c: {  	[sflag:s12] =	ssyncset.done $0x0;
	(pc) =	sbr.rel @p0 .LBB2_1-.Ltmp1, $4  }
0x8d: {  	[sflag:s12] =	ssyncadd.s32 $0xFFFFC000  }
0x8e: {  	[hbm4b:s24+s2] =	stream.linear.scatter [tilespmem:s8], [sflag:$0x3], $0x4000, $0x38;
	[tilespmem:$0x8400] =	vst v63  }
0x8f: {  	_ =	swait.ge [sflag:s3], $0x4000  }
0x90: {  	[sflag:s3] =	ssyncset.done $0x0  }
.LBB2_2:
0x91: {  	[sflag:s3] =	ssyncadd.s32 $0xFFFFC000  }
0x92: {  	_ =	sfence.sel $0x180000  }
0x93: {  	[bflag:$0x0] =	sbarrier.arrive $0xFFFF  }
0x94: {  	p0 =	sne.s32 s0, $0x0;
	_ =	strace $0x9000004A  }
0x95: {  	s0 =	sadd.s32 @!p0 $0x100000, s1;
	[bflag:$0x2] =	sbarrier.arrive $0xFFFF  }
0x96: {  	[sflag:s0] =	ssyncadd.tile.s32 @!p0 $0x1;
	_ =	shalt  }
.Lfunc_end2:
_tile_overlayer_lowered:
.L_overlay_start_2:
0x97: {  	(tag) =	ssettag $0x2  }
0x98: {  	s0 =	rddreg [dreg:$0x0];
	s2 =	stileid.u32  }
0x99: {  	s1 =	rddreg [dreg:$0x1];
	p0 =	sne.s32 s2, $0x0  }
0x9a: {  	s3 =	rddreg [dreg:$0x2];
	[bflag:$0x3] =	sbarrier.arrive $0xFFFF;
	s2 =	simm.s32 @!p0 $0x1C03  }
0x9b: {  	[timem:s3], [sflag:s2] =	dma.local @!p0 [hbm:s0], s1  }
0x9c: {  	s0 =	simm.s32 @!p0 $0x3  }
0x9d: {  	_ =	swait.ge @!p0 [sflag:s0], s1  }
0x9e: {  	s1 =	ssub.s32 @!p0 $0x0, s1;
	[sflag:s0] =	ssyncset.done @!p0 $0x0  }
0x9f: {  	[sflag:s0] =	ssyncadd.s32 @!p0 s1  }
0xa0: {  	[bflag:$0x3] =	sbarrier.arrive $0xFFFF  }
0xa1: {  	_ =	shalt  }

// kernel: kernel.17.cloned.1.call-start
scs
__scs_entry_jumppad:
0x0: {  	(pc) =	sbr.rel $0x88, $3  }
0x1: {  	(tag) =	ssettag $0x0;
	lr =	simm.s32 $0x1  }
0x2: {  	[smem:$0x3F9B] =	sst lr;
	_ =	strace $0xD0000000  }
0x3: {  	_ = 	snop  }
0x4: {  	_ = 	snop  }
0x5: {  	_ = 	snop  }
0x6: {  	_ = 	snop  }
0x7: {  	_ = 	snop  }
__scs_overlays_trampoline_lowered:
0x8: {  	[smem:$0x3FAA] =	sst s0  }
0x9: {  	[smem:$0x3FAB] =	sst s1  }
0xa: {  	[smem:$0x3FAC] =	sst s2  }
0xb: {  	[smem:$0x3FAD] =	sst s3  }
0xc: {  	[smem:$0x3FAE] =	sst s4  }
0xd: {  	[smem:$0x3FAF] =	sst s5  }
0xe: {  	[smem:$0x3FB0] =	sst s6  }
0xf: {  	[smem:$0x3FB1] =	sst s7  }
0x10: {  	[smem:$0x3FB2] =	sst s8  }
0x11: {  	[smem:$0x3FB3] =	sst s9;
	s0 =	simm.s32 @!p0 $0x0  }
0x12: {  	s1 =	sld [smem:$0x3F99];
	s0 =	simm.s32 @p0 $0x1  }
0x13: {  	[smem:$0x3FB4] =	sst s0;
	s0 =	simm.s32 @!p1 $0x0  }
0x14: {  	s2 =	sld [smem:$0x3F98];
	s0 =	simm.s32 @p1 $0x1  }
0x15: {  	[smem:$0x3FB5] =	sst s0;
	s0 =	simm.s32 @!p2 $0x0  }
0x16: {  	s3 =	sld [smem:$0x3FDB];
	s0 =	simm.s32 @p2 $0x1  }
0x17: {  	s4 =	simm.s32 $0x1BF5;
	[smem:$0x3FB7] =	sst s0  }
0x18: {  	s0 =	sld [smem:$0x3F9A];
	_ =	swait.ge [sflag:s4], $0x0  }
0x19: {  	s7 =	sld [smem:$0x3F9B]  }
0x1a: {  	s8 =	sadd.s32 $0xFFFFE003, lr  }
0x1b: {  	s9 =	sadd.s32 $0xFFFFFEF7, lr;
	s5 =	simm.s32 $0xFFFFFFFF;
	p2 =	slt.u32 s8, $0xFFFFF086  }
0x1c: {  	p1 =	slt.u32 s9, $0xF7A;
	s5 =	simm.s32 @!p2 $0x0  }
0x1d: {  	s5 =	simm.s32 @p1 $0x1;
	p0 =	seq.s32 s7, s2  }
0x1e: {  	s7 =	smul.u32 @!p0 $0xF7A, s2;
	p2 =	seq.s32 @!p0 s5, $0x0  }
0x1f: {  	s9 =	smul.u32 $0xF7A, s1;
	s8 =	simm.s32 @!p0 $0x1BF5;
	p2 =	por !p2, p0  }
0x20: {  	[sflag:s8] =	ssyncset.s32 @!p0 $0xFFFFF086;
	s6 =	sadd.s32 @!p0 s3, s7;
	s7 =	simm.s32 @!p0 $0x108  }
0x21: {  	s3 =	sadd.s32 s3, s9;
	s6 =	sadd.s32 @!p0 $0x88, s6;
	s7 =	simm.s32 @p2 $0x1082  }
0x22: {  	[simem:s7], [sflag:s8] =	dma.local @!p0 [hbm:s6], $0xF7A  }
0x23: {  	s9 =	sor.u32 $0xD0000000, s2;
	s6 =	simm.s32 $0x108;
	_ =	swait.ge @!p0 [sflag:s8], $0x0  }
0x24: {  	s3 =	sadd.s32 $0x88, s3;
	s6 =	simm.s32 @!p1 $0x1082;
	[sflag:s4] =	ssyncset.s32 $0xFFFFF086  }
0x25: {  	[simem:s6], [sflag:s4] =	dma.local [hbm:s3], $0xF7A  }
0x26: {  	[smem:$0x3F9B] =	sst s1;
	(tag) =	ssettag s2;
	_ =	strace s9  }
0x27: {  	s1 =	sld [smem:$0x3FAB]  }
0x28: {  	s2 =	sld [smem:$0x3FAC]  }
0x29: {  	s4 =	sld [smem:$0x3FAE]  }
0x2a: {  	p0 =	seq.s32 s5, $0x0;
	s5 =	sld [smem:$0x3FAF]  }
0x2b: {  	s6 =	sld [smem:$0x3FB0]  }
0x2c: {  	s7 =	sld [smem:$0x3FB1]  }
0x2d: {  	s3 =	simm.s32 $0x108;
	s8 =	sld [smem:$0x3FB2]  }
0x2e: {  	s3 =	simm.s32 @!p0 $0x1082;
	s9 =	sld [smem:$0x3FB3]  }
0x2f: {  	lr =	sadd.s32 s0, s3;
	s0 =	sld [smem:$0x3FAA]  }
0x30: {  	s3 =	sld [smem:$0x3FAD]  }
0x31: {  	[smem:$0x3FB6] =	sst s10  }
0x32: {  	s10 =	sld [smem:$0x3FB4];
	_ =	sdelay $0x3  }
0x33: {  	p0 =	seq.s32 s10, $0x1;
	s10 =	sld [smem:$0x3FB6];
	_ =	sdelay $0x3  }
0x34: {  	[smem:$0x3FB6] =	sst s10  }
0x35: {  	s10 =	sld [smem:$0x3FB5];
	_ =	sdelay $0x3  }
0x36: {  	p1 =	seq.s32 s10, $0x1;
	s10 =	sld [smem:$0x3FB6];
	_ =	sdelay $0x3  }
0x37: {  	[smem:$0x3FB6] =	sst s10  }
0x38: {  	s10 =	sld [smem:$0x3FB7]  }
0x39: {  	_ = 	snop;
	(pc) =	sbr.ind lr, $3  }
0x3a: {  	_ = 	snop  }
0x3b: {  	_ = 	snop  }
0x3c: {  	p2 =	seq.s32 s10, $0x1;
	s10 =	sld [smem:$0x3FB6]  }
0x3d: {  	_ =	shalt  }
0x3e: {  	_ =	shalt  }
0x3f: {  	_ =	shalt  }
0x40: {  	_ =	shalt  }
0x41: {  	_ =	shalt  }
0x42: {  	_ =	shalt  }
0x43: {  	_ =	shalt  }
0x44: {  	_ =	shalt  }
0x45: {  	_ =	shalt  }
0x46: {  	_ =	shalt  }
0x47: {  	_ =	shalt  }
0x48: {  	_ =	shalt  }
0x49: {  	_ =	shalt  }
0x4a: {  	_ =	shalt  }
0x4b: {  	_ =	shalt  }
0x4c: {  	_ =	shalt  }
0x4d: {  	_ =	shalt  }
0x4e: {  	_ =	shalt  }
0x4f: {  	_ =	shalt  }
0x50: {  	_ =	shalt  }
0x51: {  	_ =	shalt  }
0x52: {  	_ =	shalt  }
0x53: {  	_ =	shalt  }
0x54: {  	_ =	shalt  }
0x55: {  	_ =	shalt  }
0x56: {  	_ =	shalt  }
0x57: {  	_ =	shalt  }
0x58: {  	_ =	shalt  }
0x59: {  	_ =	shalt  }
0x5a: {  	_ =	shalt  }
0x5b: {  	_ =	shalt  }
0x5c: {  	_ =	shalt  }
0x5d: {  	_ =	shalt  }
0x5e: {  	_ =	shalt  }
0x5f: {  	_ =	shalt  }
0x60: {  	_ =	shalt  }
0x61: {  	_ =	shalt  }
0x62: {  	_ =	shalt  }
0x63: {  	_ =	shalt  }
0x64: {  	_ =	shalt  }
0x65: {  	_ =	shalt  }
0x66: {  	_ =	shalt  }
0x67: {  	_ =	shalt  }
0x68: {  	_ =	shalt  }
0x69: {  	_ =	shalt  }
0x6a: {  	_ =	shalt  }
0x6b: {  	_ =	shalt  }
0x6c: {  	_ =	shalt  }
0x6d: {  	_ =	shalt  }
0x6e: {  	_ =	shalt  }
0x6f: {  	_ =	shalt  }
0x70: {  	_ =	shalt  }
0x71: {  	_ =	shalt  }
0x72: {  	_ =	shalt  }
0x73: {  	_ =	shalt  }
0x74: {  	_ =	shalt  }
0x75: {  	_ =	shalt  }
0x76: {  	_ =	shalt  }
0x77: {  	_ =	shalt  }
0x78: {  	_ =	shalt  }
0x79: {  	_ =	shalt  }
0x7a: {  	_ =	shalt  }
0x7b: {  	_ =	shalt  }
0x7c: {  	_ =	shalt  }
0x7d: {  	_ =	shalt  }
0x7e: {  	_ =	shalt  }
0x7f: {  	_ =	shalt  }
0x80: {  	_ =	shalt  }
0x81: {  	_ =	shalt  }
0x82: {  	_ =	shalt  }
0x83: {  	_ =	shalt  }
0x84: {  	_ =	shalt  }
0x85: {  	_ =	shalt  }
0x86: {  	_ =	shalt  }
0x87: {  	_ =	shalt  }
.Lfunc_end0:
.L_simem_size_0:
called_computation.2_lowered:
.L_overlay_start_0:
0x88: {  	s2 =	sld [smem:$0x3FD9]  }
0x89: {  	s3 =	sld [smem:$0x3FFE];
	_ =	sdelay $0x1  }
0x8a: {  	s1 =	srdreg.scid  }
0x8b: {  	s0 =	sand.u32 $0x1, s1  }
0x8c: {  	s17 =	sshll.u32 s0, $0xA;
	s2 =	sadd.s32 s3, s2  }
0x8d: {  	s2 =	sadd.s32 s2, s17  }
0x8e: {  	[smem:$0x3FC2] =	sst s2  }
0x8f: {  	_ = 	snop  }
0x90: {  	(tm) =	ssettm $0x1  }
0x91: {  	s18 =	sld [smem:$0x3FFB];
	_ =	sdelay $0x3  }
0x92: {  	_ =	strace s18  }
0x93: {  	s2 =	sld [smem:$0x3FFC];
	_ =	sdelay $0x3  }
0x94: {  	_ =	strace s2  }
0x95: {  	s2 =	sld [smem:$0x3FFD];
	_ =	sdelay $0x3  }
0x96: {  	_ =	strace s2  }
0x97: {  	_ =	strace $0x8FFFFFFF  }
0x98: {  	s19 =	sld [smem:$0x3FDB];
	_ =	sdelay $0x1  }
0x99: {  	s20 =	simm.s32 $_scs_section_size  }
0x9a: {  	s4 =	simm.s32 $_size__tile_overlayer_lowered;
	s5 =	simm.s32 $_tile_overlayer_lowered  }
0x9b: {  	s6 =	simm.s32 $0x1BFF;
	s21 =	sshll.u32 s5, $0x1;
	s3 =	sadd.s32 s20, s19  }
0x9c: {  	s22 =	simm.s32 $0x0;
	s4 =	sshll.u32 s4, $0x1;
	s5 =	sadd.s32 s21, s3  }
0x9d: {  	[timem:s22], [sflag:s6] =	dma.local [hbm:s5], s4  }
0x9e: {  	_ =	swait.ge [sflag:s6], s4  }
0x9f: {  	s4 =	ssub.s32 $0x0, s4;
	[sflag:s6] =	ssyncset.done $0x0  }
0xa0: {  	[sflag:s6] =	ssyncadd.s32 s4;
	_ =	sdelay $0x1  }
0xa1: {  	s23 =	simm.s32 $0x1B8B  }
0xa2: {  	_ =	swait.ge [sflag:s23], $0x1  }
0xa3: {  	[sflag:s23] =	ssyncset.done $0x0  }
0xa4: {  	[sflag:s23] =	ssyncadd.s32 $0xFFFFFFFF  }
0xa5: {  	s4 =	sld [smem:$0x0]  }
0xa6: {  	s5 =	sand.u32 $0xFFFFFFFE, s1  }
0xa7: {  	p0 =	sne.s32 s1, s5  }
0xa8: {  	s5 =	sshll.u32 @p0 s5, $0xE  }
0xa9: {  	s5 =	sadd.s32 @p0 $0x11B8D, s5;
	s6 =	sshll.u32 @p0 s4, $0x11  }
0xaa: {  	s5 =	sor.u32 @p0 s6, s5  }
0xab: {  	[sflag:s5] =	ssyncadd.remote.s32 @p0 $0x1;
	_ =	sdelay $0x1  }
0xac: {  	s5 =	simm.s32 @p0 $0x1B8D  }
0xad: {  	_ =	swait.eq @p0 [sflag:s5], $0x1  }
0xae: {  	[sflag:s5] =	ssyncadd.s32 @p0 $0xFFFFFFFF  }
0xaf: {  	s6 =	sshll.u32 @!p0 s1, $0xE  }
0xb0: {  	s6 =	sor.u32 @!p0 $0x4000, s6;
	s5 =	simm.s32 @!p0 $0x1B8D  }
0xb1: {  	s4 =	sshll.u32 @!p0 s4, $0x11;
	s6 =	sadd.s32 @!p0 $0x11B8D, s6;
	_ =	swait.eq @!p0 [sflag:s5], $0x1  }
0xb2: {  	s4 =	sor.u32 @!p0 s4, s6;
	[sflag:s5] =	ssyncadd.s32 @!p0 $0xFFFFFFFF  }
0xb3: {  	s25 =	simm.s32 $0x1B8E;
	s24 =	sld [smem:$0x3FFE];
	[sflag:s4] =	ssyncadd.remote.s32 @!p0 $0x1  }
0xb4: {  	s26 =	simm.s32 $execute0_lowered;
	[smem:$0x3FD2] =	sst s25  }
0xb5: {  	s5 =	sshll.u32 s26, $0x1;
	_ =	strace $0x8000004C;
	[dreg:$0x1] =	wrdreg $0xFFFFFFFF  }
0xb6: {  	s28 =	simm.s32 $_size_execute0_lowered;
	s3 =	sadd.s32 s3, s5;
	[dreg:$0x0] =	wrdreg $0x0  }
0xb7: {  	s5 =	sshll.u32 s28, $0x1;
	[dreg:$0x2] =	wrdreg s3  }
0xb8: {  	[dreg:$0x3] =	wrdreg s5  }
0xb9: {  	[dreg:$0x4] =	wrdreg $0xC0  }
0xba: {  	_ =	task [dreg:s22], $0x5FFFF  }
0xbb: {  	[dreg:$0x1] =	wrdreg $0xFFFFFFFF  }
0xbc: {  	[dreg:$0x0] =	wrdreg $0x60  }
0xbd: {  	[dreg:$0x2] =	wrdreg s24  }
0xbe: {  	[dreg:$0x3] =	wrdreg $0xA  }
0xbf: {  	_ =	task.clear_ibuf [dreg:s22], $0x4FFFF;
	_ =	strace $0x9000004C  }
0xc0: {  	s29 =	simm.s32 $0xA;
	_ =	strace $0x8000004E  }
0xc1: {  	_ =	swait.ge [sflag:s29], $0x1  }
0xc2: {  	[sflag:s29] =	ssyncadd.s32 $0xFFFFFFFF  }
0xc3: {  	_ =	strace $0x9000004E  }
0xc4: {  	_ =	sfence  }
0xc5: {  	s30 =	sld [smem:$0x0];
	_ =	sdelay $0x2  }
0xc6: {  	s31 =	sshll.u32 s1, $0xD;
	s1 =	sshrl.u32 s1, $0x2  }
0xc7: {  	s4 =	sand.u32 $0x4000, s31;
	s1 =	sadd.s32 s1, s30  }
0xc8: {  	s0 =	sor.u32 s4, s0;
	s1 =	sshll.u32 s1, $0x11  }
0xc9: {  	s0 =	sor.u32 s1, s0  }
0xca: {  	s0 =	sadd.s32 $0x8F2B, s0  }
0xcb: {  	[sflag:s0] =	ssyncadd.remote.s32 $0x1  }
0xcc: {  	_ =	sfence.sel $0xFFFF  }
0xcd: {  	[dreg:$0x0] =	wrdreg $0xFFFFFFFF;
	(pc) =	sbr.abs _section_cstart, $3  }
0xce: {  	[dreg:$0x1] =	wrdreg $0xFFFFFFFF  }
0xcf: {  	_ =	task.clear_ibuf [dreg:s22], $0x2FFFF;
	_ =	strace $0x9FFFFFFF  }
0xd0: {  	(tm) =	ssettm $0x7FFFFFFF  }
0xd1: {  	_ =	shalt  }
tec
execute0_lowered:
.L_overlay_start_1:
0x0: {  	(tag) =	ssettag $0x1  }
0x1: {  	s1 =	srdreg.scid  }
0x2: {  	s0 =	stileid.u32;
	s24 =	sand.u32 $0x1, s1  }
0x3: {  	s30 =	sshll.u32 s0, $0xB;
	s2 =	sshll.u32 s24, $0xA  }
0x4: {  	s10 =	rddreg [dreg:$0x0];
	s11 =	sor.u32 s2, s30  }
0x5: {  	s1 =	rddreg [dreg:$0x1];
	s2 =	simm.s32 $0x0;
	s3 =	sshrl.u32 s11, $0x3  }
0x6: {  	[smem:$0x7FF] =	sst s2;
	s3 =	sadd.s32 s3, s10  }
0x7: {  	_ =	strace $0x8000004D;
	s4 =	sadd.s32 $0x3200, s3;
	s3 =	simm.s32 $0x3  }
0x8: {  	[tilespmem:s2], [sflag:$0x3] =	stream.linear.gather [hbm4b:s4+s2], $0x400, $0x38;
	[tilespmem:$0x8400] =	vst v63  }
0x9: {  	_ =	swait.ge [sflag:s3], $0x400  }
0xa: {  	s6 =	simm.s32 $0x80;
	[sflag:s3] =	ssyncset.done $0x0  }
0xb: {  	s7 =	simm.s32 $0x400;
	s5 =	sadd.s32 $0x480C00, s10;
	[sflag:s3] =	ssyncadd.s32 $0xFFFFFC00  }
0xc: {  	[tilespmem:s7], [sflag:$0x1] =	stream.indirect.gather [hbm4b:s5+s6], $0x80, s2, s6, $0xb8;
	[tilespmem:$0x8400] =	vst v63  }
0xd: {  	s8 =	simm.s32 $0x4400;
	s9 =	simm.s32 $0x1  }
0xe: {  	[tilespmem:s8], [sflag:$0x2] =	stream.indirect.gather [hbm4b:s5+s6], $0x80, s6, s6, $0xb8;
	[tilespmem:$0x8400] =	vst v63  }
0xf: {  	s11 =	sshll.u32 s11, $0x4;
	_ =	swait.ge [sflag:s9], $0x4000  }
0x10: {  	s25 =	sadd.s32 s11, s10;
	[sflag:s9] =	ssyncset.done $0x0  }
0x11: {  	s10 =	sadd.s32 $0x100C00, s25;
	[sflag:s9] =	ssyncadd.s32 $0xFFFFC000  }
0x12: {  	[hbm4b:s10+s2] =	stream.linear.scatter [tilespmem:s7], [sflag:$0x3], $0x4000, $0x38;
	[tilespmem:$0x8400] =	vst v63  }
0x13: {  	_ =	swait.ge [sflag:s3], $0x4000  }
0x14: {  	[sflag:s3] =	ssyncset.done $0x0  }
0x15: {  	s12 =	simm.s32 $0x2;
	s11 =	simm.s32 $0x100;
	[sflag:s3] =	ssyncadd.s32 $0xFFFFC000  }
0x16: {  	[tilespmem:s7], [sflag:$0x1] =	stream.indirect.gather [hbm4b:s5+s6], $0x80, s11, s6, $0xb8;
	[tilespmem:$0x8400] =	vst v63  }
0x17: {  	_ =	swait.ge [sflag:s12], $0x4000  }
0x18: {  	[sflag:s12] =	ssyncset.done $0x0  }
0x19: {  	s13 =	sadd.s32 $0x101400, s25;
	[sflag:s12] =	ssyncadd.s32 $0xFFFFC000  }
0x1a: {  	[hbm4b:s13+s2] =	stream.linear.scatter [tilespmem:s8], [sflag:$0x3], $0x4000, $0x38;
	[tilespmem:$0x8400] =	vst v63  }
0x1b: {  	_ =	swait.ge [sflag:s3], $0x4000  }
0x1c: {  	[sflag:s3] =	ssyncset.done $0x0  }
0x1d: {  	s14 =	simm.s32 $0x180;
	[sflag:s3] =	ssyncadd.s32 $0xFFFFC000  }
0x1e: {  	[tilespmem:s8], [sflag:$0x2] =	stream.indirect.gather [hbm4b:s5+s6], $0x80, s14, s6, $0xb8;
	[tilespmem:$0x8400] =	vst v63  }
0x1f: {  	_ =	swait.ge [sflag:s9], $0x4000  }
0x20: {  	[sflag:s9] =	ssyncset.done $0x0  }
0x21: {  	s15 =	sadd.s32 $0x101C00, s25;
	[sflag:s9] =	ssyncadd.s32 $0xFFFFC000  }
0x22: {  	[hbm4b:s15+s2] =	stream.linear.scatter [tilespmem:s7], [sflag:$0x3], $0x4000, $0x38;
	[tilespmem:$0x8400] =	vst v63  }
0x23: {  	_ =	swait.ge [sflag:s3], $0x4000  }
0x24: {  	[sflag:s3] =	ssyncset.done $0x0  }
0x25: {  	s16 =	simm.s32 $0x200;
	[sflag:s3] =	ssyncadd.s32 $0xFFFFC000  }
0x26: {  	[tilespmem:s7], [sflag:$0x1] =	stream.indirect.gather [hbm4b:s5+s6], $0x80, s16, s6, $0xb8;
	[tilespmem:$0x8400] =	vst v63  }
0x27: {  	_ =	swait.ge [sflag:s12], $0x4000  }
0x28: {  	[sflag:s12] =	ssyncset.done $0x0  }
0x29: {  	s17 =	sadd.s32 $0x102400, s25;
	[sflag:s12] =	ssyncadd.s32 $0xFFFFC000  }
0x2a: {  	[hbm4b:s17+s2] =	stream.linear.scatter [tilespmem:s8], [sflag:$0x3], $0x4000, $0x38;
	[tilespmem:$0x8400] =	vst v63  }
0x2b: {  	_ =	swait.ge [sflag:s3], $0x4000  }
0x2c: {  	[sflag:s3] =	ssyncset.done $0x0  }
0x2d: {  	s18 =	simm.s32 $0x280;
	[sflag:s3] =	ssyncadd.s32 $0xFFFFC000  }
0x2e: {  	[tilespmem:s8], [sflag:$0x2] =	stream.indirect.gather [hbm4b:s5+s6], $0x80, s18, s6, $0xb8;
	[tilespmem:$0x8400] =	vst v63  }
0x2f: {  	_ =	swait.ge [sflag:s9], $0x4000  }
0x30: {  	[sflag:s9] =	ssyncset.done $0x0  }
0x31: {  	s19 =	sadd.s32 $0x102C00, s25;
	[sflag:s9] =	ssyncadd.s32 $0xFFFFC000  }
0x32: {  	[hbm4b:s19+s2] =	stream.linear.scatter [tilespmem:s7], [sflag:$0x3], $0x4000, $0x38;
	[tilespmem:$0x8400] =	vst v63  }
0x33: {  	_ =	swait.ge [sflag:s3], $0x4000  }
0x34: {  	[sflag:s3] =	ssyncset.done $0x0  }
0x35: {  	s20 =	simm.s32 $0x300;
	[sflag:s3] =	ssyncadd.s32 $0xFFFFC000  }
0x36: {  	[tilespmem:s7], [sflag:$0x1] =	stream.indirect.gather [hbm4b:s5+s6], $0x80, s20, s6, $0xb8;
	[tilespmem:$0x8400] =	vst v63  }
0x37: {  	_ =	swait.ge [sflag:s12], $0x4000  }
0x38: {  	[sflag:s12] =	ssyncset.done $0x0  }
0x39: {  	s21 =	sadd.s32 $0x103400, s25;
	[sflag:s12] =	ssyncadd.s32 $0xFFFFC000  }
0x3a: {  	[hbm4b:s21+s2] =	stream.linear.scatter [tilespmem:s8], [sflag:$0x3], $0x4000, $0x38;
	[tilespmem:$0x8400] =	vst v63  }
0x3b: {  	_ =	swait.ge [sflag:s3], $0x4000  }
0x3c: {  	[sflag:s3] =	ssyncset.done $0x0  }
0x3d: {  	s22 =	simm.s32 $0x380;
	[sflag:s3] =	ssyncadd.s32 $0xFFFFC000  }
0x3e: {  	[tilespmem:s8], [sflag:$0x2] =	stream.indirect.gather [hbm4b:s5+s6], $0x80, s22, s6, $0xb8;
	[tilespmem:$0x8400] =	vst v63  }
0x3f: {  	_ =	swait.ge [sflag:s9], $0x4000  }
0x40: {  	[sflag:s9] =	ssyncset.done $0x0  }
0x41: {  	s24 =	ssub.s32 $0x2, s24;
	s23 =	sadd.s32 $0x103C00, s25;
	[sflag:s9] =	ssyncadd.s32 $0xFFFFC000  }
0x42: {  	[hbm4b:s23+s2] =	stream.linear.scatter [tilespmem:s7], [sflag:$0x3], $0x4000, $0x38;
	[tilespmem:$0x8400] =	vst v63  }
0x43: {  	s26 =	sshrl.u32 s24, $0x1;
	_ =	swait.ge [sflag:s3], $0x4000  }
0x44: {  	s26 =	ssub.s32 s24, s26;
	[sflag:s3] =	ssyncset.done $0x0  }
0x45: {  	s31 =	smax.u32 s26, $0x1;
	[sflag:s3] =	ssyncadd.s32 $0xFFFFC000  }
0x46: {  	p0 =	sne.s32 s31, $0x1;
	_ =	swait.ge [sflag:s12], $0x4000  }
.Ltmp0:
0x47: {  	[sflag:s12] =	ssyncset.done $0x0;
	(pc) =	sbr.rel @!p0 .LBB2_2-.Ltmp0, $4  }
0x48: {  	s24 =	sadd.s32 $0x104400, s25;
	[sflag:s12] =	ssyncadd.s32 $0xFFFFC000  }
0x49: {  	[hbm4b:s24+s2] =	stream.linear.scatter [tilespmem:s8], [sflag:$0x3], $0x4000, $0x38;
	[tilespmem:$0x8400] =	vst v63  }
0x4a: {  	_ =	swait.ge [sflag:s3], $0x4000  }
0x4b: {  	s25 =	sadd.s32 $0xFFFFFFFF, s31;
	[sflag:s3] =	ssyncset.done $0x0  }
.LBB2_1:
0x4c: {  	p0 =	sne.s32 s25, $0x1;
	s25 =	sadd.s32 $0xFFFFFFFF, s25;
	[sflag:s3] =	ssyncadd.s32 $0xFFFFC000  }
0x4d: {  	[tilespmem:s2], [sflag:$0x3] =	stream.linear.gather [hbm4b:s4+s2], $0x400, $0x38;
	[tilespmem:$0x8400] =	vst v63  }
0x4e: {  	_ =	swait.ge [sflag:s3], $0x400  }
0x4f: {  	[sflag:s3] =	ssyncset.done $0x0  }
0x50: {  	[sflag:s3] =	ssyncadd.s32 $0xFFFFFC00  }
0x51: {  	[tilespmem:s7], [sflag:$0x1] =	stream.indirect.gather [hbm4b:s5+s6], $0x80, s2, s6, $0xb8;
	[tilespmem:$0x8400] =	vst v63  }
0x52: {  	_ = 	snop  }
0x53: {  	[tilespmem:s8], [sflag:$0x2] =	stream.indirect.gather [hbm4b:s5+s6], $0x80, s6, s6, $0xb8;
	[tilespmem:$0x8400] =	vst v63  }
0x54: {  	_ =	swait.ge [sflag:s9], $0x4000  }
0x55: {  	[sflag:s9] =	ssyncset.done $0x0  }
0x56: {  	[sflag:s9] =	ssyncadd.s32 $0xFFFFC000  }
0x57: {  	[hbm4b:s10+s2] =	stream.linear.scatter [tilespmem:s7], [sflag:$0x3], $0x4000, $0x38;
	[tilespmem:$0x8400] =	vst v63  }
0x58: {  	_ =	swait.ge [sflag:s3], $0x4000  }
0x59: {  	[sflag:s3] =	ssyncset.done $0x0  }
0x5a: {  	[sflag:s3] =	ssyncadd.s32 $0xFFFFC000  }
0x5b: {  	[tilespmem:s7], [sflag:$0x1] =	stream.indirect.gather [hbm4b:s5+s6], $0x80, s11, s6, $0xb8;
	[tilespmem:$0x8400] =	vst v63  }
0x5c: {  	_ =	swait.ge [sflag:s12], $0x4000  }
0x5d: {  	[sflag:s12] =	ssyncset.done $0x0  }
0x5e: {  	[sflag:s12] =	ssyncadd.s32 $0xFFFFC000  }
0x5f: {  	[hbm4b:s13+s2] =	stream.linear.scatter [tilespmem:s8], [sflag:$0x3], $0x4000, $0x38;
	[tilespmem:$0x8400] =	vst v63  }
0x60: {  	_ =	swait.ge [sflag:s3], $0x4000  }
0x61: {  	[sflag:s3] =	ssyncset.done $0x0  }
0x62: {  	[sflag:s3] =	ssyncadd.s32 $0xFFFFC000  }
0x63: {  	[tilespmem:s8], [sflag:$0x2] =	stream.indirect.gather [hbm4b:s5+s6], $0x80, s14, s6, $0xb8;
	[tilespmem:$0x8400] =	vst v63  }
0x64: {  	_ =	swait.ge [sflag:s9], $0x4000  }
0x65: {  	[sflag:s9] =	ssyncset.done $0x0  }
0x66: {  	[sflag:s9] =	ssyncadd.s32 $0xFFFFC000  }
0x67: {  	[hbm4b:s15+s2] =	stream.linear.scatter [tilespmem:s7], [sflag:$0x3], $0x4000, $0x38;
	[tilespmem:$0x8400] =	vst v63  }
0x68: {  	_ =	swait.ge [sflag:s3], $0x4000  }
0x69: {  	[sflag:s3] =	ssyncset.done $0x0  }
0x6a: {  	[sflag:s3] =	ssyncadd.s32 $0xFFFFC000  }
0x6b: {  	[tilespmem:s7], [sflag:$0x1] =	stream.indirect.gather [hbm4b:s5+s6], $0x80, s16, s6, $0xb8;
	[tilespmem:$0x8400] =	vst v63  }
0x6c: {  	_ =	swait.ge [sflag:s12], $0x4000  }
0x6d: {  	[sflag:s12] =	ssyncset.done $0x0  }
0x6e: {  	[sflag:s12] =	ssyncadd.s32 $0xFFFFC000  }
0x6f: {  	[hbm4b:s17+s2] =	stream.linear.scatter [tilespmem:s8], [sflag:$0x3], $0x4000, $0x38;
	[tilespmem:$0x8400] =	vst v63  }
0x70: {  	_ =	swait.ge [sflag:s3], $0x4000  }
0x71: {  	[sflag:s3] =	ssyncset.done $0x0  }
0x72: {  	[sflag:s3] =	ssyncadd.s32 $0xFFFFC000  }
0x73: {  	[tilespmem:s8], [sflag:$0x2] =	stream.indirect.gather [hbm4b:s5+s6], $0x80, s18, s6, $0xb8;
	[tilespmem:$0x8400] =	vst v63  }
0x74: {  	_ =	swait.ge [sflag:s9], $0x4000  }
0x75: {  	[sflag:s9] =	ssyncset.done $0x0  }
0x76: {  	[sflag:s9] =	ssyncadd.s32 $0xFFFFC000  }
0x77: {  	[hbm4b:s19+s2] =	stream.linear.scatter [tilespmem:s7], [sflag:$0x3], $0x4000, $0x38;
	[tilespmem:$0x8400] =	vst v63  }
0x78: {  	_ =	swait.ge [sflag:s3], $0x4000  }
0x79: {  	[sflag:s3] =	ssyncset.done $0x0  }
0x7a: {  	[sflag:s3] =	ssyncadd.s32 $0xFFFFC000  }
0x7b: {  	[tilespmem:s7], [sflag:$0x1] =	stream.indirect.gather [hbm4b:s5+s6], $0x80, s20, s6, $0xb8;
	[tilespmem:$0x8400] =	vst v63  }
0x7c: {  	_ =	swait.ge [sflag:s12], $0x4000  }
0x7d: {  	[sflag:s12] =	ssyncset.done $0x0  }
0x7e: {  	[sflag:s12] =	ssyncadd.s32 $0xFFFFC000  }
0x7f: {  	[hbm4b:s21+s2] =	stream.linear.scatter [tilespmem:s8], [sflag:$0x3], $0x4000, $0x38;
	[tilespmem:$0x8400] =	vst v63  }
0x80: {  	_ =	swait.ge [sflag:s3], $0x4000  }
0x81: {  	[sflag:s3] =	ssyncset.done $0x0  }
0x82: {  	[sflag:s3] =	ssyncadd.s32 $0xFFFFC000  }
0x83: {  	[tilespmem:s8], [sflag:$0x2] =	stream.indirect.gather [hbm4b:s5+s6], $0x80, s22, s6, $0xb8;
	[tilespmem:$0x8400] =	vst v63  }
0x84: {  	_ =	swait.ge [sflag:s9], $0x4000  }
0x85: {  	[sflag:s9] =	ssyncset.done $0x0  }
0x86: {  	[sflag:s9] =	ssyncadd.s32 $0xFFFFC000  }
0x87: {  	[hbm4b:s23+s2] =	stream.linear.scatter [tilespmem:s7], [sflag:$0x3], $0x4000, $0x38;
	[tilespmem:$0x8400] =	vst v63  }
0x88: {  	_ =	swait.ge [sflag:s3], $0x4000  }
0x89: {  	[sflag:s3] =	ssyncset.done $0x0  }
0x8a: {  	[sflag:s3] =	ssyncadd.s32 $0xFFFFC000  }
0x8b: {  	_ =	swait.ge [sflag:s12], $0x4000  }
.Ltmp1:
0x8c: {  	[sflag:s12] =	ssyncset.done $0x0;
	(pc) =	sbr.rel @p0 .LBB2_1-.Ltmp1, $4  }
0x8d: {  	[sflag:s12] =	ssyncadd.s32 $0xFFFFC000  }
0x8e: {  	[hbm4b:s24+s2] =	stream.linear.scatter [tilespmem:s8], [sflag:$0x3], $0x4000, $0x38;
	[tilespmem:$0x8400] =	vst v63  }
0x8f: {  	_ =	swait.ge [sflag:s3], $0x4000  }
0x90: {  	[sflag:s3] =	ssyncset.done $0x0  }
.LBB2_2:
0x91: {  	[sflag:s3] =	ssyncadd.s32 $0xFFFFC000  }
0x92: {  	_ =	sfence.sel $0x180000  }
0x93: {  	[bflag:$0x0] =	sbarrier.arrive $0xFFFF  }
0x94: {  	p0 =	sne.s32 s0, $0x0;
	_ =	strace $0x9000004D  }
0x95: {  	s0 =	sadd.s32 @!p0 $0x100000, s1;
	[bflag:$0x2] =	sbarrier.arrive $0xFFFF  }
0x96: {  	[sflag:s0] =	ssyncadd.tile.s32 @!p0 $0x1;
	_ =	shalt  }
.Lfunc_end2:
_tile_overlayer_lowered:
.L_overlay_start_2:
0x97: {  	(tag) =	ssettag $0x2  }
0x98: {  	s0 =	rddreg [dreg:$0x0];
	s2 =	stileid.u32  }
0x99: {  	s1 =	rddreg [dreg:$0x1];
	p0 =	sne.s32 s2, $0x0  }
0x9a: {  	s3 =	rddreg [dreg:$0x2];
	[bflag:$0x3] =	sbarrier.arrive $0xFFFF;
	s2 =	simm.s32 @!p0 $0x1C03  }
0x9b: {  	[timem:s3], [sflag:s2] =	dma.local @!p0 [hbm:s0], s1  }
0x9c: {  	s0 =	simm.s32 @!p0 $0x3  }
0x9d: {  	_ =	swait.ge @!p0 [sflag:s0], s1  }
0x9e: {  	s1 =	ssub.s32 @!p0 $0x0, s1;
	[sflag:s0] =	ssyncset.done @!p0 $0x0  }
0x9f: {  	[sflag:s0] =	ssyncadd.s32 @!p0 s1  }
0xa0: {  	[bflag:$0x3] =	sbarrier.arrive $0xFFFF  }
0xa1: {  	_ =	shalt  }

</sc_bundles>
